<compile_context>
chip_gen: v7x
topology: tpu7x:2x2x1
jax: 0.10.2.dev20260603
libtpu: 0.0.44.dev20260713+nightly
codegen_flags: <defaults>
</compile_context>

<pallas_src>
import functools

import jax
import jax.numpy as jnp
from jax import lax
from jax.experimental import pallas as pl
from jax.experimental.pallas import tpu as pltpu
from jax.experimental.pallas import tpu_sc as plsc

_M = 32
_NCOLS = 33
_LANES = 16
_NUM_CORES = 1
_NUM_SUBCORES = 16
_NUM_WORKERS = _NUM_CORES * _NUM_SUBCORES


def _make_sc_call(batch):
    rows_per_worker = batch // _NUM_WORKERS
    groups = rows_per_worker // _LANES
    mesh = plsc.VectorSubcoreMesh(
        core_axis_name="c", subcore_axis_name="s",
        num_cores=_NUM_CORES, num_subcores=_NUM_SUBCORES)

    @functools.partial(
        pl.kernel,
        mesh=mesh,
        out_type=jax.ShapeDtypeStruct((batch,), jnp.int32),
        scratch_types=[
            pltpu.VMEM((_M, rows_per_worker), jnp.int32),
            pltpu.VMEM((_NCOLS, _NCOLS), jnp.int32),
            pltpu.VMEM((rows_per_worker,), jnp.int32),
            pltpu.SemaphoreType.DMA,
            pltpu.SemaphoreType.DMA,
        ],
        compiler_params=pltpu.CompilerParams(
            needs_layout_passes=False,
            disable_bounds_checks=True,
            disable_semaphore_checks=True,
            skip_device_barrier=True,
        ),
    )
    def sc_rank(xt_hbm, comb_hbm, out_hbm, x_v, comb_v, out_v,
                sem_c, sem_x):
        wid = (lax.axis_index("s") * jnp.int32(_NUM_CORES)
               + lax.axis_index("c"))
        rbase = wid * jnp.int32(rows_per_worker)
        cpy_c = pltpu.async_copy(comb_hbm, comb_v, sem_c)
        cpy_x = pltpu.async_copy(
            xt_hbm.at[:, pl.ds(rbase, rows_per_worker)], x_v, sem_x)
        cpy_c.wait()
        cpy_x.wait()

        def group_body(g, carry):
            gbase = g * jnp.int32(2 * _LANES)
            presum_a = jnp.zeros((_LANES,), jnp.int32)
            presum_b = jnp.zeros((_LANES,), jnp.int32)
            acc_a = jnp.zeros((_LANES,), jnp.int32)
            acc_b = jnp.zeros((_LANES,), jnp.int32)
            for i in range(_M):
                xi_a = x_v[i, pl.ds(gbase, _LANES)]
                xi_b = x_v[i, pl.ds(gbase + jnp.int32(_LANES), _LANES)]
                row_i = jnp.full((_LANES,), _M - 1 - i, jnp.int32)
                left_a = jnp.full((_LANES,), _M, jnp.int32) - presum_a
                left_b = jnp.full((_LANES,), _M, jnp.int32) - presum_b
                cval_a = plsc.load_gather(comb_v, [row_i, left_a])
                cval_b = plsc.load_gather(comb_v, [row_i, left_b])
                acc_a = acc_a + cval_a * xi_a
                acc_b = acc_b + cval_b * xi_b
                presum_a = presum_a + xi_a
                presum_b = presum_b + xi_b
            out_v[pl.ds(gbase, _LANES)] = acc_a
            out_v[pl.ds(gbase + jnp.int32(_LANES), _LANES)] = acc_b
            return carry

        lax.fori_loop(jnp.int32(0), jnp.int32(groups // 2), group_body,
                      jnp.int32(0))
        pltpu.sync_copy(out_v, out_hbm.at[pl.ds(rbase, rows_per_worker)])

    return sc_rank


@jax.jit
def kernel(x, comb):
    batch = x.shape[0]
    xt32 = x.T.astype(jnp.int32)
    comb32 = comb.astype(jnp.int32)
    out32 = _make_sc_call(batch)(xt32, comb32)
    return out32.astype(jnp.int64)

# --- scband reference (transcript-rebuilt; emitter-appended) ---
"""Pipeline reference for scband-mapping-47321949667609 (READ-ONLY COPY).

The authoritative reference and input builder live on the scoring server;
editing this copy changes nothing except your own understanding.
"""

import jax, jax.numpy as jnp
import numpy as np

jax.config.update("jax_enable_x64", True)

M = 32
N = 32


def compute_combinations(M, N):
    c = np.zeros((M + 1, N + 1), dtype=np.int64)
    for m in range(0, M + 1):
        c[m, 0] = 1
    for m in range(1, M + 1):
        for n in range(1, min(m, N) + 1):
            c[m, n] = c[m - 1, n - 1] + c[m - 1, n]
    return jnp.asarray(c)


def setup_inputs(seed: int = 0) -> dict:
    key = jax.random.key(seed)
    x = jax.random.randint(key, (16384, 32), 0, 2, dtype=jnp.int64)
    comb = compute_combinations(M, N)
    return {"x": x, "comb": comb}


def reference(x, comb):
    B = x.shape[0]
    index = jnp.zeros((B,), dtype=jnp.int64)
    left = jnp.full((B,), N, dtype=jnp.int64)
    for i in range(M):
        xi = x[:, i]
        # gather: comb[M-1-i, left]  (per-row table lookup)
        index = index + comb[M - 1 - i, left] * xi
        left = left - xi
    return index

if __name__ == "__main__":
    import jax
    _d = setup_inputs()
    print(jax.jit(kernel)(*tuple(_d.values())))

</pallas_src>

<mosaic_0001>
#map = affine_map<(d0, d1) -> (0, 0)>
#map1 = affine_map<(d0, d1) -> (0)>
module attributes {stable_mosaic.version = 14 : i64} {
  func.func @sc_rank(%arg0: i32, %arg1: i32, %arg2: memref<32x16384xi32, #tpu.memory_space<hbm>>, %arg3: memref<33x33xi32, #tpu.memory_space<hbm>>, %arg4: memref<16384xi32, #tpu.memory_space<hbm>>, %arg5: memref<32x1024xi32, #tpu.memory_space<vmem>>, %arg6: memref<33x33xi32, #tpu.memory_space<vmem>>, %arg7: memref<1024xi32, #tpu.memory_space<vmem>>, %arg8: memref<!tpu.dma_semaphore, #tpu.memory_space<semaphore_mem>>, %arg9: memref<!tpu.dma_semaphore, #tpu.memory_space<semaphore_mem>>) attributes {dimension_semantics = [#tpu.dimension_semantics<core_parallel>, #tpu.dimension_semantics<subcore_parallel>], iteration_bounds = array<i64: 1, 16>, scalar_prefetch = 0 : i64, scratch_operands = 5 : i64, tpu.core_type = #tpu.core_type<sc_vector_subcore>, window_params = [{transform_indices = #map}, {transform_indices = #map}, {transform_indices = #map1}]} {
    %mul3A = arith.constant 1 : i32
    %mul3A_0 = arith.muli %arg1, %mul3A : i32
    %add3A = arith.addi %mul3A_0, %arg0 : i32
    %mul3A_1 = arith.constant 1024 : i32
    %mul3A_2 = arith.muli %add3A, %mul3A_1 : i32
    tpu.enqueue_dma source(%arg3 : memref<33x33xi32, #tpu.memory_space<hbm>>) target(%arg6 : memref<33x33xi32, #tpu.memory_space<vmem>>) target_semaphore(%arg8 : memref<!tpu.dma_semaphore, #tpu.memory_space<semaphore_mem>>)
    %dma_start3A = arith.constant 0 : i32
    %dma_start3A_3 = tpu.memref_slice %arg2[%dma_start3A, %mul3A_2] : memref<32x16384xi32, #tpu.memory_space<hbm>> -> memref<32x1024xi32, #tpu.memory_space<hbm>>
    %dma_start3A_4 = arith.constant 0 : i32
    %dma_start3A_5 = tpu.memref_slice %arg2[%dma_start3A_4, %mul3A_2] : memref<32x16384xi32, #tpu.memory_space<hbm>> -> memref<32x1024xi32, #tpu.memory_space<hbm>>
    tpu.enqueue_dma source(%dma_start3A_5 : memref<32x1024xi32, #tpu.memory_space<hbm>>) target(%arg5 : memref<32x1024xi32, #tpu.memory_space<vmem>>) target_semaphore(%arg9 : memref<!tpu.dma_semaphore, #tpu.memory_space<semaphore_mem>>)
    tpu.wait_dma2 semaphore(%arg8 : memref<!tpu.dma_semaphore, #tpu.memory_space<semaphore_mem>>) src(%arg3 : memref<33x33xi32, #tpu.memory_space<hbm>>) dst(%arg6 : memref<33x33xi32, #tpu.memory_space<vmem>>)
    %dma_wait3A = arith.constant 0 : i32
    %dma_wait3A_6 = tpu.memref_slice %arg2[%dma_wait3A, %mul3A_2] : memref<32x16384xi32, #tpu.memory_space<hbm>> -> memref<32x1024xi32, #tpu.memory_space<hbm>>
    %dma_wait3A_7 = arith.constant 0 : i32
    %dma_wait3A_8 = tpu.memref_slice %arg2[%dma_wait3A_7, %mul3A_2] : memref<32x16384xi32, #tpu.memory_space<hbm>> -> memref<32x1024xi32, #tpu.memory_space<hbm>>
    tpu.wait_dma2 semaphore(%arg9 : memref<!tpu.dma_semaphore, #tpu.memory_space<semaphore_mem>>) src(%dma_wait3A_8 : memref<32x1024xi32, #tpu.memory_space<hbm>>) dst(%arg5 : memref<32x1024xi32, #tpu.memory_space<vmem>>)
    %while3A = arith.constant 0 : i32
    %while3A_9 = arith.constant 0 : i32
    %while3A_10 = arith.constant 32 : i32
    %while3A_11 = arith.subi %while3A_10, %while3A_9 : i32
    %while3A_12 = arith.addi %while3A_9, %while3A_11 : i32
    %while3A_13 = arith.constant 1 : i32
    %while3A_14 = arith.divsi %while3A_11, %while3A_13 : i32
    %while3A_15 = arith.muli %while3A_14, %while3A_13 : i32
    %while3A_16 = arith.addi %while3A_9, %while3A_15 : i32
    %while3A_17 = arith.constant 1 : i32
    scf.for %while3A_19 = %while3A_9 to %while3A_16 step %while3A_17  : i32 {
      %mul3A_20 = arith.constant 32 : i32
      %mul3A_21 = arith.muli %while3A_19, %mul3A_20 : i32
      %broadcast_in_dim3A = arith.constant 0 : i32
      %broadcast_in_dim3A_22 = vector.broadcast %broadcast_in_dim3A : i32 to vector<16xi32>
      %broadcast_in_dim3A_23 = arith.constant 0 : i32
      %broadcast_in_dim3A_24 = vector.broadcast %broadcast_in_dim3A_23 : i32 to vector<16xi32>
      %broadcast_in_dim3A_25 = arith.constant 0 : i32
      %broadcast_in_dim3A_26 = vector.broadcast %broadcast_in_dim3A_25 : i32 to vector<16xi32>
      %broadcast_in_dim3A_27 = arith.constant 0 : i32
      %broadcast_in_dim3A_28 = vector.broadcast %broadcast_in_dim3A_27 : i32 to vector<16xi32>
      %get3A = arith.constant 0 : i64
      %get3A_29 = arith.index_cast %get3A : i64 to index
      %get3A_30 = arith.index_cast %mul3A_21 : i32 to index
      %get3A_31 = tpu.vector_load %arg5[%get3A_29, %get3A_30] {strides = array<i32>} : memref<32x1024xi32, #tpu.memory_space<vmem>>, vector<16xi32>,
      %add3A_32 = arith.constant 16 : i32
      %add3A_33 = arith.addi %mul3A_21, %add3A_32 : i32
      %get3A_34 = arith.constant 0 : i64
      %get3A_35 = arith.index_cast %get3A_34 : i64 to index
      %get3A_36 = arith.index_cast %add3A_33 : i32 to index
      %get3A_37 = tpu.vector_load %arg5[%get3A_35, %get3A_36] {strides = array<i32>} : memref<32x1024xi32, #tpu.memory_space<vmem>>, vector<16xi32>,
      %broadcast_in_dim3A_38 = arith.constant 31 : i32
      %broadcast_in_dim3A_39 = vector.broadcast %broadcast_in_dim3A_38 : i32 to vector<16xi32>
      %broadcast_in_dim3A_40 = arith.constant 32 : i32
      %broadcast_in_dim3A_41 = vector.broadcast %broadcast_in_dim3A_40 : i32 to vector<16xi32>
      %sub3A = arith.subi %broadcast_in_dim3A_41, %broadcast_in_dim3A_22 : vector<16xi32>
      %broadcast_in_dim3A_42 = arith.constant 32 : i32
      %broadcast_in_dim3A_43 = vector.broadcast %broadcast_in_dim3A_42 : i32 to vector<16xi32>
      %sub3A_44 = arith.subi %broadcast_in_dim3A_43, %broadcast_in_dim3A_24 : vector<16xi32>
      %gather3A = tpu.vector_load_idx %arg6[%broadcast_in_dim3A_39, %sub3A] : memref<33x33xi32, #tpu.memory_space<vmem>>[vector<16xi32>, vector<16xi32>], vector<16xi32>,
      %gather3A_45 = tpu.vector_load_idx %arg6[%broadcast_in_dim3A_39, %sub3A_44] : memref<33x33xi32, #tpu.memory_space<vmem>>[vector<16xi32>, vector<16xi32>], vector<16xi32>,
      %mul3A_46 = arith.muli %gather3A, %get3A_31 : vector<16xi32>
      %add3A_47 = arith.addi %broadcast_in_dim3A_26, %mul3A_46 : vector<16xi32>
      %mul3A_48 = arith.muli %gather3A_45, %get3A_37 : vector<16xi32>
      %add3A_49 = arith.addi %broadcast_in_dim3A_28, %mul3A_48 : vector<16xi32>
      %add3A_50 = arith.addi %broadcast_in_dim3A_22, %get3A_31 : vector<16xi32>
      %add3A_51 = arith.addi %broadcast_in_dim3A_24, %get3A_37 : vector<16xi32>
      %get3A_52 = arith.constant 1 : i64
      %get3A_53 = arith.index_cast %get3A_52 : i64 to index
      %get3A_54 = arith.index_cast %mul3A_21 : i32 to index
      %get3A_55 = tpu.vector_load %arg5[%get3A_53, %get3A_54] {strides = array<i32>} : memref<32x1024xi32, #tpu.memory_space<vmem>>, vector<16xi32>,
      %add3A_56 = arith.constant 16 : i32
      %add3A_57 = arith.addi %mul3A_21, %add3A_56 : i32
      %get3A_58 = arith.constant 1 : i64
      %get3A_59 = arith.index_cast %get3A_58 : i64 to index
      %get3A_60 = arith.index_cast %add3A_57 : i32 to index
      %get3A_61 = tpu.vector_load %arg5[%get3A_59, %get3A_60] {strides = array<i32>} : memref<32x1024xi32, #tpu.memory_space<vmem>>, vector<16xi32>,
      %broadcast_in_dim3A_62 = arith.constant 30 : i32
      %broadcast_in_dim3A_63 = vector.broadcast %broadcast_in_dim3A_62 : i32 to vector<16xi32>
      %broadcast_in_dim3A_64 = arith.constant 32 : i32
      %broadcast_in_dim3A_65 = vector.broadcast %broadcast_in_dim3A_64 : i32 to vector<16xi32>
      %sub3A_66 = arith.subi %broadcast_in_dim3A_65, %add3A_50 : vector<16xi32>
      %broadcast_in_dim3A_67 = arith.constant 32 : i32
      %broadcast_in_dim3A_68 = vector.broadcast %broadcast_in_dim3A_67 : i32 to vector<16xi32>
      %sub3A_69 = arith.subi %broadcast_in_dim3A_68, %add3A_51 : vector<16xi32>
      %gather3A_70 = tpu.vector_load_idx %arg6[%broadcast_in_dim3A_63, %sub3A_66] : memref<33x33xi32, #tpu.memory_space<vmem>>[vector<16xi32>, vector<16xi32>], vector<16xi32>,
      %gather3A_71 = tpu.vector_load_idx %arg6[%broadcast_in_dim3A_63, %sub3A_69] : memref<33x33xi32, #tpu.memory_space<vmem>>[vector<16xi32>, vector<16xi32>], vector<16xi32>,
      %mul3A_72 = arith.muli %gather3A_70, %get3A_55 : vector<16xi32>
      %add3A_73 = arith.addi %add3A_47, %mul3A_72 : vector<16xi32>
      %mul3A_74 = arith.muli %gather3A_71, %get3A_61 : vector<16xi32>
      %add3A_75 = arith.addi %add3A_49, %mul3A_74 : vector<16xi32>
      %add3A_76 = arith.addi %add3A_50, %get3A_55 : vector<16xi32>
      %add3A_77 = arith.addi %add3A_51, %get3A_61 : vector<16xi32>
      %get3A_78 = arith.constant 2 : i64
      %get3A_79 = arith.index_cast %get3A_78 : i64 to index
      %get3A_80 = arith.index_cast %mul3A_21 : i32 to index
      %get3A_81 = tpu.vector_load %arg5[%get3A_79, %get3A_80] {strides = array<i32>} : memref<32x1024xi32, #tpu.memory_space<vmem>>, vector<16xi32>,
      %add3A_82 = arith.constant 16 : i32
      %add3A_83 = arith.addi %mul3A_21, %add3A_82 : i32
      %get3A_84 = arith.constant 2 : i64
      %get3A_85 = arith.index_cast %get3A_84 : i64 to index
      %get3A_86 = arith.index_cast %add3A_83 : i32 to index
      %get3A_87 = tpu.vector_load %arg5[%get3A_85, %get3A_86] {strides = array<i32>} : memref<32x1024xi32, #tpu.memory_space<vmem>>, vector<16xi32>,
      %broadcast_in_dim3A_88 = arith.constant 29 : i32
      %broadcast_in_dim3A_89 = vector.broadcast %broadcast_in_dim3A_88 : i32 to vector<16xi32>
      %broadcast_in_dim3A_90 = arith.constant 32 : i32
      %broadcast_in_dim3A_91 = vector.broadcast %broadcast_in_dim3A_90 : i32 to vector<16xi32>
      %sub3A_92 = arith.subi %broadcast_in_dim3A_91, %add3A_76 : vector<16xi32>
      %broadcast_in_dim3A_93 = arith.constant 32 : i32
      %broadcast_in_dim3A_94 = vector.broadcast %broadcast_in_dim3A_93 : i32 to vector<16xi32>
      %sub3A_95 = arith.subi %broadcast_in_dim3A_94, %add3A_77 : vector<16xi32>
      %gather3A_96 = tpu.vector_load_idx %arg6[%broadcast_in_dim3A_89, %sub3A_92] : memref<33x33xi32, #tpu.memory_space<vmem>>[vector<16xi32>, vector<16xi32>], vector<16xi32>,
      %gather3A_97 = tpu.vector_load_idx %arg6[%broadcast_in_dim3A_89, %sub3A_95] : memref<33x33xi32, #tpu.memory_space<vmem>>[vector<16xi32>, vector<16xi32>], vector<16xi32>,
      %mul3A_98 = arith.muli %gather3A_96, %get3A_81 : vector<16xi32>
      %add3A_99 = arith.addi %add3A_73, %mul3A_98 : vector<16xi32>
      %mul3A_100 = arith.muli %gather3A_97, %get3A_87 : vector<16xi32>
      %add3A_101 = arith.addi %add3A_75, %mul3A_100 : vector<16xi32>
      %add3A_102 = arith.addi %add3A_76, %get3A_81 : vector<16xi32>
      %add3A_103 = arith.addi %add3A_77, %get3A_87 : vector<16xi32>
      %get3A_104 = arith.constant 3 : i64
      %get3A_105 = arith.index_cast %get3A_104 : i64 to index
      %get3A_106 = arith.index_cast %mul3A_21 : i32 to index
      %get3A_107 = tpu.vector_load %arg5[%get3A_105, %get3A_106] {strides = array<i32>} : memref<32x1024xi32, #tpu.memory_space<vmem>>, vector<16xi32>,
      %add3A_108 = arith.constant 16 : i32
      %add3A_109 = arith.addi %mul3A_21, %add3A_108 : i32
      %get3A_110 = arith.constant 3 : i64
      %get3A_111 = arith.index_cast %get3A_110 : i64 to index
      %get3A_112 = arith.index_cast %add3A_109 : i32 to index
      %get3A_113 = tpu.vector_load %arg5[%get3A_111, %get3A_112] {strides = array<i32>} : memref<32x1024xi32, #tpu.memory_space<vmem>>, vector<16xi32>,
      %broadcast_in_dim3A_114 = arith.constant 28 : i32
      %broadcast_in_dim3A_115 = vector.broadcast %broadcast_in_dim3A_114 : i32 to vector<16xi32>
      %broadcast_in_dim3A_116 = arith.constant 32 : i32
      %broadcast_in_dim3A_117 = vector.broadcast %broadcast_in_dim3A_116 : i32 to vector<16xi32>
      %sub3A_118 = arith.subi %broadcast_in_dim3A_117, %add3A_102 : vector<16xi32>
      %broadcast_in_dim3A_119 = arith.constant 32 : i32
      %broadcast_in_dim3A_120 = vector.broadcast %broadcast_in_dim3A_119 : i32 to vector<16xi32>
      %sub3A_121 = arith.subi %broadcast_in_dim3A_120, %add3A_103 : vector<16xi32>
      %gather3A_122 = tpu.vector_load_idx %arg6[%broadcast_in_dim3A_115, %sub3A_118] : memref<33x33xi32, #tpu.memory_space<vmem>>[vector<16xi32>, vector<16xi32>], vector<16xi32>,
      %gather3A_123 = tpu.vector_load_idx %arg6[%broadcast_in_dim3A_115, %sub3A_121] : memref<33x33xi32, #tpu.memory_space<vmem>>[vector<16xi32>, vector<16xi32>], vector<16xi32>,
      %mul3A_124 = arith.muli %gather3A_122, %get3A_107 : vector<16xi32>
      %add3A_125 = arith.addi %add3A_99, %mul3A_124 : vector<16xi32>
      %mul3A_126 = arith.muli %gather3A_123, %get3A_113 : vector<16xi32>
      %add3A_127 = arith.addi %add3A_101, %mul3A_126 : vector<16xi32>
      %add3A_128 = arith.addi %add3A_102, %get3A_107 : vector<16xi32>
      %add3A_129 = arith.addi %add3A_103, %get3A_113 : vector<16xi32>
      %get3A_130 = arith.constant 4 : i64
      %get3A_131 = arith.index_cast %get3A_130 : i64 to index
      %get3A_132 = arith.index_cast %mul3A_21 : i32 to index
      %get3A_133 = tpu.vector_load %arg5[%get3A_131, %get3A_132] {strides = array<i32>} : memref<32x1024xi32, #tpu.memory_space<vmem>>, vector<16xi32>,
      %add3A_134 = arith.constant 16 : i32
      %add3A_135 = arith.addi %mul3A_21, %add3A_134 : i32
      %get3A_136 = arith.constant 4 : i64
      %get3A_137 = arith.index_cast %get3A_136 : i64 to index
      %get3A_138 = arith.index_cast %add3A_135 : i32 to index
      %get3A_139 = tpu.vector_load %arg5[%get3A_137, %get3A_138] {strides = array<i32>} : memref<32x1024xi32, #tpu.memory_space<vmem>>, vector<16xi32>,
      %broadcast_in_dim3A_140 = arith.constant 27 : i32
      %broadcast_in_dim3A_141 = vector.broadcast %broadcast_in_dim3A_140 : i32 to vector<16xi32>
      %broadcast_in_dim3A_142 = arith.constant 32 : i32
      %broadcast_in_dim3A_143 = vector.broadcast %broadcast_in_dim3A_142 : i32 to vector<16xi32>
      %sub3A_144 = arith.subi %broadcast_in_dim3A_143, %add3A_128 : vector<16xi32>
      %broadcast_in_dim3A_145 = arith.constant 32 : i32
      %broadcast_in_dim3A_146 = vector.broadcast %broadcast_in_dim3A_145 : i32 to vector<16xi32>
      %sub3A_147 = arith.subi %broadcast_in_dim3A_146, %add3A_129 : vector<16xi32>
      %gather3A_148 = tpu.vector_load_idx %arg6[%broadcast_in_dim3A_141, %sub3A_144] : memref<33x33xi32, #tpu.memory_space<vmem>>[vector<16xi32>, vector<16xi32>], vector<16xi32>,
      %gather3A_149 = tpu.vector_load_idx %arg6[%broadcast_in_dim3A_141, %sub3A_147] : memref<33x33xi32, #tpu.memory_space<vmem>>[vector<16xi32>, vector<16xi32>], vector<16xi32>,
      %mul3A_150 = arith.muli %gather3A_148, %get3A_133 : vector<16xi32>
      %add3A_151 = arith.addi %add3A_125, %mul3A_150 : vector<16xi32>
      %mul3A_152 = arith.muli %gather3A_149, %get3A_139 : vector<16xi32>
      %add3A_153 = arith.addi %add3A_127, %mul3A_152 : vector<16xi32>
      %add3A_154 = arith.addi %add3A_128, %get3A_133 : vector<16xi32>
      %add3A_155 = arith.addi %add3A_129, %get3A_139 : vector<16xi32>
      %get3A_156 = arith.constant 5 : i64
      %get3A_157 = arith.index_cast %get3A_156 : i64 to index
      %get3A_158 = arith.index_cast %mul3A_21 : i32 to index
      %get3A_159 = tpu.vector_load %arg5[%get3A_157, %get3A_158] {strides = array<i32>} : memref<32x1024xi32, #tpu.memory_space<vmem>>, vector<16xi32>,
      %add3A_160 = arith.constant 16 : i32
      %add3A_161 = arith.addi %mul3A_21, %add3A_160 : i32
      %get3A_162 = arith.constant 5 : i64
      %get3A_163 = arith.index_cast %get3A_162 : i64 to index
      %get3A_164 = arith.index_cast %add3A_161 : i32 to index
      %get3A_165 = tpu.vector_load %arg5[%get3A_163, %get3A_164] {strides = array<i32>} : memref<32x1024xi32, #tpu.memory_space<vmem>>, vector<16xi32>,
      %broadcast_in_dim3A_166 = arith.constant 26 : i32
      %broadcast_in_dim3A_167 = vector.broadcast %broadcast_in_dim3A_166 : i32 to vector<16xi32>
      %broadcast_in_dim3A_168 = arith.constant 32 : i32
      %broadcast_in_dim3A_169 = vector.broadcast %broadcast_in_dim3A_168 : i32 to vector<16xi32>
      %sub3A_170 = arith.subi %broadcast_in_dim3A_169, %add3A_154 : vector<16xi32>
      %broadcast_in_dim3A_171 = arith.constant 32 : i32
      %broadcast_in_dim3A_172 = vector.broadcast %broadcast_in_dim3A_171 : i32 to vector<16xi32>
      %sub3A_173 = arith.subi %broadcast_in_dim3A_172, %add3A_155 : vector<16xi32>
      %gather3A_174 = tpu.vector_load_idx %arg6[%broadcast_in_dim3A_167, %sub3A_170] : memref<33x33xi32, #tpu.memory_space<vmem>>[vector<16xi32>, vector<16xi32>], vector<16xi32>,
      %gather3A_175 = tpu.vector_load_idx %arg6[%broadcast_in_dim3A_167, %sub3A_173] : memref<33x33xi32, #tpu.memory_space<vmem>>[vector<16xi32>, vector<16xi32>], vector<16xi32>,
      %mul3A_176 = arith.muli %gather3A_174, %get3A_159 : vector<16xi32>
      %add3A_177 = arith.addi %add3A_151, %mul3A_176 : vector<16xi32>
      %mul3A_178 = arith.muli %gather3A_175, %get3A_165 : vector<16xi32>
      %add3A_179 = arith.addi %add3A_153, %mul3A_178 : vector<16xi32>
      %add3A_180 = arith.addi %add3A_154, %get3A_159 : vector<16xi32>
      %add3A_181 = arith.addi %add3A_155, %get3A_165 : vector<16xi32>
      %get3A_182 = arith.constant 6 : i64
      %get3A_183 = arith.index_cast %get3A_182 : i64 to index
      %get3A_184 = arith.index_cast %mul3A_21 : i32 to index
      %get3A_185 = tpu.vector_load %arg5[%get3A_183, %get3A_184] {strides = array<i32>} : memref<32x1024xi32, #tpu.memory_space<vmem>>, vector<16xi32>,
      %add3A_186 = arith.constant 16 : i32
      %add3A_187 = arith.addi %mul3A_21, %add3A_186 : i32
      %get3A_188 = arith.constant 6 : i64
      %get3A_189 = arith.index_cast %get3A_188 : i64 to index
      %get3A_190 = arith.index_cast %add3A_187 : i32 to index
      %get3A_191 = tpu.vector_load %arg5[%get3A_189, %get3A_190] {strides = array<i32>} : memref<32x1024xi32, #tpu.memory_space<vmem>>, vector<16xi32>,
      %broadcast_in_dim3A_192 = arith.constant 25 : i32
      %broadcast_in_dim3A_193 = vector.broadcast %broadcast_in_dim3A_192 : i32 to vector<16xi32>
      %broadcast_in_dim3A_194 = arith.constant 32 : i32
      %broadcast_in_dim3A_195 = vector.broadcast %broadcast_in_dim3A_194 : i32 to vector<16xi32>
      %sub3A_196 = arith.subi %broadcast_in_dim3A_195, %add3A_180 : vector<16xi32>
      %broadcast_in_dim3A_197 = arith.constant 32 : i32
      %broadcast_in_dim3A_198 = vector.broadcast %broadcast_in_dim3A_197 : i32 to vector<16xi32>
      %sub3A_199 = arith.subi %broadcast_in_dim3A_198, %add3A_181 : vector<16xi32>
      %gather3A_200 = tpu.vector_load_idx %arg6[%broadcast_in_dim3A_193, %sub3A_196] : memref<33x33xi32, #tpu.memory_space<vmem>>[vector<16xi32>, vector<16xi32>], vector<16xi32>,
      %gather3A_201 = tpu.vector_load_idx %arg6[%broadcast_in_dim3A_193, %sub3A_199] : memref<33x33xi32, #tpu.memory_space<vmem>>[vector<16xi32>, vector<16xi32>], vector<16xi32>,
      %mul3A_202 = arith.muli %gather3A_200, %get3A_185 : vector<16xi32>
      %add3A_203 = arith.addi %add3A_177, %mul3A_202 : vector<16xi32>
      %mul3A_204 = arith.muli %gather3A_201, %get3A_191 : vector<16xi32>
      %add3A_205 = arith.addi %add3A_179, %mul3A_204 : vector<16xi32>
      %add3A_206 = arith.addi %add3A_180, %get3A_185 : vector<16xi32>
      %add3A_207 = arith.addi %add3A_181, %get3A_191 : vector<16xi32>
      %get3A_208 = arith.constant 7 : i64
      %get3A_209 = arith.index_cast %get3A_208 : i64 to index
      %get3A_210 = arith.index_cast %mul3A_21 : i32 to index
      %get3A_211 = tpu.vector_load %arg5[%get3A_209, %get3A_210] {strides = array<i32>} : memref<32x1024xi32, #tpu.memory_space<vmem>>, vector<16xi32>,
      %add3A_212 = arith.constant 16 : i32
      %add3A_213 = arith.addi %mul3A_21, %add3A_212 : i32
      %get3A_214 = arith.constant 7 : i64
      %get3A_215 = arith.index_cast %get3A_214 : i64 to index
      %get3A_216 = arith.index_cast %add3A_213 : i32 to index
      %get3A_217 = tpu.vector_load %arg5[%get3A_215, %get3A_216] {strides = array<i32>} : memref<32x1024xi32, #tpu.memory_space<vmem>>, vector<16xi32>,
      %broadcast_in_dim3A_218 = arith.constant 24 : i32
      %broadcast_in_dim3A_219 = vector.broadcast %broadcast_in_dim3A_218 : i32 to vector<16xi32>
      %broadcast_in_dim3A_220 = arith.constant 32 : i32
      %broadcast_in_dim3A_221 = vector.broadcast %broadcast_in_dim3A_220 : i32 to vector<16xi32>
      %sub3A_222 = arith.subi %broadcast_in_dim3A_221, %add3A_206 : vector<16xi32>
      %broadcast_in_dim3A_223 = arith.constant 32 : i32
      %broadcast_in_dim3A_224 = vector.broadcast %broadcast_in_dim3A_223 : i32 to vector<16xi32>
      %sub3A_225 = arith.subi %broadcast_in_dim3A_224, %add3A_207 : vector<16xi32>
      %gather3A_226 = tpu.vector_load_idx %arg6[%broadcast_in_dim3A_219, %sub3A_222] : memref<33x33xi32, #tpu.memory_space<vmem>>[vector<16xi32>, vector<16xi32>], vector<16xi32>,
      %gather3A_227 = tpu.vector_load_idx %arg6[%broadcast_in_dim3A_219, %sub3A_225] : memref<33x33xi32, #tpu.memory_space<vmem>>[vector<16xi32>, vector<16xi32>], vector<16xi32>,
      %mul3A_228 = arith.muli %gather3A_226, %get3A_211 : vector<16xi32>
      %add3A_229 = arith.addi %add3A_203, %mul3A_228 : vector<16xi32>
      %mul3A_230 = arith.muli %gather3A_227, %get3A_217 : vector<16xi32>
      %add3A_231 = arith.addi %add3A_205, %mul3A_230 : vector<16xi32>
      %add3A_232 = arith.addi %add3A_206, %get3A_211 : vector<16xi32>
      %add3A_233 = arith.addi %add3A_207, %get3A_217 : vector<16xi32>
      %get3A_234 = arith.constant 8 : i64
      %get3A_235 = arith.index_cast %get3A_234 : i64 to index
      %get3A_236 = arith.index_cast %mul3A_21 : i32 to index
      %get3A_237 = tpu.vector_load %arg5[%get3A_235, %get3A_236] {strides = array<i32>} : memref<32x1024xi32, #tpu.memory_space<vmem>>, vector<16xi32>,
      %add3A_238 = arith.constant 16 : i32
      %add3A_239 = arith.addi %mul3A_21, %add3A_238 : i32
      %get3A_240 = arith.constant 8 : i64
      %get3A_241 = arith.index_cast %get3A_240 : i64 to index
      %get3A_242 = arith.index_cast %add3A_239 : i32 to index
      %get3A_243 = tpu.vector_load %arg5[%get3A_241, %get3A_242] {strides = array<i32>} : memref<32x1024xi32, #tpu.memory_space<vmem>>, vector<16xi32>,
      %broadcast_in_dim3A_244 = arith.constant 23 : i32
      %broadcast_in_dim3A_245 = vector.broadcast %broadcast_in_dim3A_244 : i32 to vector<16xi32>
      %broadcast_in_dim3A_246 = arith.constant 32 : i32
      %broadcast_in_dim3A_247 = vector.broadcast %broadcast_in_dim3A_246 : i32 to vector<16xi32>
      %sub3A_248 = arith.subi %broadcast_in_dim3A_247, %add3A_232 : vector<16xi32>
      %broadcast_in_dim3A_249 = arith.constant 32 : i32
      %broadcast_in_dim3A_250 = vector.broadcast %broadcast_in_dim3A_249 : i32 to vector<16xi32>
      %sub3A_251 = arith.subi %broadcast_in_dim3A_250, %add3A_233 : vector<16xi32>
      %gather3A_252 = tpu.vector_load_idx %arg6[%broadcast_in_dim3A_245, %sub3A_248] : memref<33x33xi32, #tpu.memory_space<vmem>>[vector<16xi32>, vector<16xi32>], vector<16xi32>,
      %gather3A_253 = tpu.vector_load_idx %arg6[%broadcast_in_dim3A_245, %sub3A_251] : memref<33x33xi32, #tpu.memory_space<vmem>>[vector<16xi32>, vector<16xi32>], vector<16xi32>,
      %mul3A_254 = arith.muli %gather3A_252, %get3A_237 : vector<16xi32>
      %add3A_255 = arith.addi %add3A_229, %mul3A_254 : vector<16xi32>
      %mul3A_256 = arith.muli %gather3A_253, %get3A_243 : vector<16xi32>
      %add3A_257 = arith.addi %add3A_231, %mul3A_256 : vector<16xi32>
      %add3A_258 = arith.addi %add3A_232, %get3A_237 : vector<16xi32>
      %add3A_259 = arith.addi %add3A_233, %get3A_243 : vector<16xi32>
      %get3A_260 = arith.constant 9 : i64
      %get3A_261 = arith.index_cast %get3A_260 : i64 to index
      %get3A_262 = arith.index_cast %mul3A_21 : i32 to index
      %get3A_263 = tpu.vector_load %arg5[%get3A_261, %get3A_262] {strides = array<i32>} : memref<32x1024xi32, #tpu.memory_space<vmem>>, vector<16xi32>,
      %add3A_264 = arith.constant 16 : i32
      %add3A_265 = arith.addi %mul3A_21, %add3A_264 : i32
      %get3A_266 = arith.constant 9 : i64
      %get3A_267 = arith.index_cast %get3A_266 : i64 to index
      %get3A_268 = arith.index_cast %add3A_265 : i32 to index
      %get3A_269 = tpu.vector_load %arg5[%get3A_267, %get3A_268] {strides = array<i32>} : memref<32x1024xi32, #tpu.memory_space<vmem>>, vector<16xi32>,
      %broadcast_in_dim3A_270 = arith.constant 22 : i32
      %broadcast_in_dim3A_271 = vector.broadcast %broadcast_in_dim3A_270 : i32 to vector<16xi32>
      %broadcast_in_dim3A_272 = arith.constant 32 : i32
      %broadcast_in_dim3A_273 = vector.broadcast %broadcast_in_dim3A_272 : i32 to vector<16xi32>
      %sub3A_274 = arith.subi %broadcast_in_dim3A_273, %add3A_258 : vector<16xi32>
      %broadcast_in_dim3A_275 = arith.constant 32 : i32
      %broadcast_in_dim3A_276 = vector.broadcast %broadcast_in_dim3A_275 : i32 to vector<16xi32>
      %sub3A_277 = arith.subi %broadcast_in_dim3A_276, %add3A_259 : vector<16xi32>
      %gather3A_278 = tpu.vector_load_idx %arg6[%broadcast_in_dim3A_271, %sub3A_274] : memref<33x33xi32, #tpu.memory_space<vmem>>[vector<16xi32>, vector<16xi32>], vector<16xi32>,
      %gather3A_279 = tpu.vector_load_idx %arg6[%broadcast_in_dim3A_271, %sub3A_277] : memref<33x33xi32, #tpu.memory_space<vmem>>[vector<16xi32>, vector<16xi32>], vector<16xi32>,
      %mul3A_280 = arith.muli %gather3A_278, %get3A_263 : vector<16xi32>
      %add3A_281 = arith.addi %add3A_255, %mul3A_280 : vector<16xi32>
      %mul3A_282 = arith.muli %gather3A_279, %get3A_269 : vector<16xi32>
      %add3A_283 = arith.addi %add3A_257, %mul3A_282 : vector<16xi32>
      %add3A_284 = arith.addi %add3A_258, %get3A_263 : vector<16xi32>
      %add3A_285 = arith.addi %add3A_259, %get3A_269 : vector<16xi32>
      %get3A_286 = arith.constant 10 : i64
      %get3A_287 = arith.index_cast %get3A_286 : i64 to index
      %get3A_288 = arith.index_cast %mul3A_21 : i32 to index
      %get3A_289 = tpu.vector_load %arg5[%get3A_287, %get3A_288] {strides = array<i32>} : memref<32x1024xi32, #tpu.memory_space<vmem>>, vector<16xi32>,
      %add3A_290 = arith.constant 16 : i32
      %add3A_291 = arith.addi %mul3A_21, %add3A_290 : i32
      %get3A_292 = arith.constant 10 : i64
      %get3A_293 = arith.index_cast %get3A_292 : i64 to index
      %get3A_294 = arith.index_cast %add3A_291 : i32 to index
      %get3A_295 = tpu.vector_load %arg5[%get3A_293, %get3A_294] {strides = array<i32>} : memref<32x1024xi32, #tpu.memory_space<vmem>>, vector<16xi32>,
      %broadcast_in_dim3A_296 = arith.constant 21 : i32
      %broadcast_in_dim3A_297 = vector.broadcast %broadcast_in_dim3A_296 : i32 to vector<16xi32>
      %broadcast_in_dim3A_298 = arith.constant 32 : i32
      %broadcast_in_dim3A_299 = vector.broadcast %broadcast_in_dim3A_298 : i32 to vector<16xi32>
      %sub3A_300 = arith.subi %broadcast_in_dim3A_299, %add3A_284 : vector<16xi32>
      %broadcast_in_dim3A_301 = arith.constant 32 : i32
      %broadcast_in_dim3A_302 = vector.broadcast %broadcast_in_dim3A_301 : i32 to vector<16xi32>
      %sub3A_303 = arith.subi %broadcast_in_dim3A_302, %add3A_285 : vector<16xi32>
      %gather3A_304 = tpu.vector_load_idx %arg6[%broadcast_in_dim3A_297, %sub3A_300] : memref<33x33xi32, #tpu.memory_space<vmem>>[vector<16xi32>, vector<16xi32>], vector<16xi32>,
      %gather3A_305 = tpu.vector_load_idx %arg6[%broadcast_in_dim3A_297, %sub3A_303] : memref<33x33xi32, #tpu.memory_space<vmem>>[vector<16xi32>, vector<16xi32>], vector<16xi32>,
      %mul3A_306 = arith.muli %gather3A_304, %get3A_289 : vector<16xi32>
      %add3A_307 = arith.addi %add3A_281, %mul3A_306 : vector<16xi32>
      %mul3A_308 = arith.muli %gather3A_305, %get3A_295 : vector<16xi32>
      %add3A_309 = arith.addi %add3A_283, %mul3A_308 : vector<16xi32>
      %add3A_310 = arith.addi %add3A_284, %get3A_289 : vector<16xi32>
      %add3A_311 = arith.addi %add3A_285, %get3A_295 : vector<16xi32>
      %get3A_312 = arith.constant 11 : i64
      %get3A_313 = arith.index_cast %get3A_312 : i64 to index
      %get3A_314 = arith.index_cast %mul3A_21 : i32 to index
      %get3A_315 = tpu.vector_load %arg5[%get3A_313, %get3A_314] {strides = array<i32>} : memref<32x1024xi32, #tpu.memory_space<vmem>>, vector<16xi32>,
      %add3A_316 = arith.constant 16 : i32
      %add3A_317 = arith.addi %mul3A_21, %add3A_316 : i32
      %get3A_318 = arith.constant 11 : i64
      %get3A_319 = arith.index_cast %get3A_318 : i64 to index
      %get3A_320 = arith.index_cast %add3A_317 : i32 to index
      %get3A_321 = tpu.vector_load %arg5[%get3A_319, %get3A_320] {strides = array<i32>} : memref<32x1024xi32, #tpu.memory_space<vmem>>, vector<16xi32>,
      %broadcast_in_dim3A_322 = arith.constant 20 : i32
      %broadcast_in_dim3A_323 = vector.broadcast %broadcast_in_dim3A_322 : i32 to vector<16xi32>
      %broadcast_in_dim3A_324 = arith.constant 32 : i32
      %broadcast_in_dim3A_325 = vector.broadcast %broadcast_in_dim3A_324 : i32 to vector<16xi32>
      %sub3A_326 = arith.subi %broadcast_in_dim3A_325, %add3A_310 : vector<16xi32>
      %broadcast_in_dim3A_327 = arith.constant 32 : i32
      %broadcast_in_dim3A_328 = vector.broadcast %broadcast_in_dim3A_327 : i32 to vector<16xi32>
      %sub3A_329 = arith.subi %broadcast_in_dim3A_328, %add3A_311 : vector<16xi32>
      %gather3A_330 = tpu.vector_load_idx %arg6[%broadcast_in_dim3A_323, %sub3A_326] : memref<33x33xi32, #tpu.memory_space<vmem>>[vector<16xi32>, vector<16xi32>], vector<16xi32>,
      %gather3A_331 = tpu.vector_load_idx %arg6[%broadcast_in_dim3A_323, %sub3A_329] : memref<33x33xi32, #tpu.memory_space<vmem>>[vector<16xi32>, vector<16xi32>], vector<16xi32>,
      %mul3A_332 = arith.muli %gather3A_330, %get3A_315 : vector<16xi32>
      %add3A_333 = arith.addi %add3A_307, %mul3A_332 : vector<16xi32>
      %mul3A_334 = arith.muli %gather3A_331, %get3A_321 : vector<16xi32>
      %add3A_335 = arith.addi %add3A_309, %mul3A_334 : vector<16xi32>
      %add3A_336 = arith.addi %add3A_310, %get3A_315 : vector<16xi32>
      %add3A_337 = arith.addi %add3A_311, %get3A_321 : vector<16xi32>
      %get3A_338 = arith.constant 12 : i64
      %get3A_339 = arith.index_cast %get3A_338 : i64 to index
      %get3A_340 = arith.index_cast %mul3A_21 : i32 to index
      %get3A_341 = tpu.vector_load %arg5[%get3A_339, %get3A_340] {strides = array<i32>} : memref<32x1024xi32, #tpu.memory_space<vmem>>, vector<16xi32>,
      %add3A_342 = arith.constant 16 : i32
      %add3A_343 = arith.addi %mul3A_21, %add3A_342 : i32
      %get3A_344 = arith.constant 12 : i64
      %get3A_345 = arith.index_cast %get3A_344 : i64 to index
      %get3A_346 = arith.index_cast %add3A_343 : i32 to index
      %get3A_347 = tpu.vector_load %arg5[%get3A_345, %get3A_346] {strides = array<i32>} : memref<32x1024xi32, #tpu.memory_space<vmem>>, vector<16xi32>,
      %broadcast_in_dim3A_348 = arith.constant 19 : i32
      %broadcast_in_dim3A_349 = vector.broadcast %broadcast_in_dim3A_348 : i32 to vector<16xi32>
      %broadcast_in_dim3A_350 = arith.constant 32 : i32
      %broadcast_in_dim3A_351 = vector.broadcast %broadcast_in_dim3A_350 : i32 to vector<16xi32>
      %sub3A_352 = arith.subi %broadcast_in_dim3A_351, %add3A_336 : vector<16xi32>
      %broadcast_in_dim3A_353 = arith.constant 32 : i32
      %broadcast_in_dim3A_354 = vector.broadcast %broadcast_in_dim3A_353 : i32 to vector<16xi32>
      %sub3A_355 = arith.subi %broadcast_in_dim3A_354, %add3A_337 : vector<16xi32>
      %gather3A_356 = tpu.vector_load_idx %arg6[%broadcast_in_dim3A_349, %sub3A_352] : memref<33x33xi32, #tpu.memory_space<vmem>>[vector<16xi32>, vector<16xi32>], vector<16xi32>,
      %gather3A_357 = tpu.vector_load_idx %arg6[%broadcast_in_dim3A_349, %sub3A_355] : memref<33x33xi32, #tpu.memory_space<vmem>>[vector<16xi32>, vector<16xi32>], vector<16xi32>,
      %mul3A_358 = arith.muli %gather3A_356, %get3A_341 : vector<16xi32>
      %add3A_359 = arith.addi %add3A_333, %mul3A_358 : vector<16xi32>
      %mul3A_360 = arith.muli %gather3A_357, %get3A_347 : vector<16xi32>
      %add3A_361 = arith.addi %add3A_335, %mul3A_360 : vector<16xi32>
      %add3A_362 = arith.addi %add3A_336, %get3A_341 : vector<16xi32>
      %add3A_363 = arith.addi %add3A_337, %get3A_347 : vector<16xi32>
      %get3A_364 = arith.constant 13 : i64
      %get3A_365 = arith.index_cast %get3A_364 : i64 to index
      %get3A_366 = arith.index_cast %mul3A_21 : i32 to index
      %get3A_367 = tpu.vector_load %arg5[%get3A_365, %get3A_366] {strides = array<i32>} : memref<32x1024xi32, #tpu.memory_space<vmem>>, vector<16xi32>,
      %add3A_368 = arith.constant 16 : i32
      %add3A_369 = arith.addi %mul3A_21, %add3A_368 : i32
      %get3A_370 = arith.constant 13 : i64
      %get3A_371 = arith.index_cast %get3A_370 : i64 to index
      %get3A_372 = arith.index_cast %add3A_369 : i32 to index
      %get3A_373 = tpu.vector_load %arg5[%get3A_371, %get3A_372] {strides = array<i32>} : memref<32x1024xi32, #tpu.memory_space<vmem>>, vector<16xi32>,
      %broadcast_in_dim3A_374 = arith.constant 18 : i32
      %broadcast_in_dim3A_375 = vector.broadcast %broadcast_in_dim3A_374 : i32 to vector<16xi32>
      %broadcast_in_dim3A_376 = arith.constant 32 : i32
      %broadcast_in_dim3A_377 = vector.broadcast %broadcast_in_dim3A_376 : i32 to vector<16xi32>
      %sub3A_378 = arith.subi %broadcast_in_dim3A_377, %add3A_362 : vector<16xi32>
      %broadcast_in_dim3A_379 = arith.constant 32 : i32
      %broadcast_in_dim3A_380 = vector.broadcast %broadcast_in_dim3A_379 : i32 to vector<16xi32>
      %sub3A_381 = arith.subi %broadcast_in_dim3A_380, %add3A_363 : vector<16xi32>
      %gather3A_382 = tpu.vector_load_idx %arg6[%broadcast_in_dim3A_375, %sub3A_378] : memref<33x33xi32, #tpu.memory_space<vmem>>[vector<16xi32>, vector<16xi32>], vector<16xi32>,
      %gather3A_383 = tpu.vector_load_idx %arg6[%broadcast_in_dim3A_375, %sub3A_381] : memref<33x33xi32, #tpu.memory_space<vmem>>[vector<16xi32>, vector<16xi32>], vector<16xi32>,
      %mul3A_384 = arith.muli %gather3A_382, %get3A_367 : vector<16xi32>
      %add3A_385 = arith.addi %add3A_359, %mul3A_384 : vector<16xi32>
      %mul3A_386 = arith.muli %gather3A_383, %get3A_373 : vector<16xi32>
      %add3A_387 = arith.addi %add3A_361, %mul3A_386 : vector<16xi32>
      %add3A_388 = arith.addi %add3A_362, %get3A_367 : vector<16xi32>
      %add3A_389 = arith.addi %add3A_363, %get3A_373 : vector<16xi32>
      %get3A_390 = arith.constant 14 : i64
      %get3A_391 = arith.index_cast %get3A_390 : i64 to index
      %get3A_392 = arith.index_cast %mul3A_21 : i32 to index
      %get3A_393 = tpu.vector_load %arg5[%get3A_391, %get3A_392] {strides = array<i32>} : memref<32x1024xi32, #tpu.memory_space<vmem>>, vector<16xi32>,
      %add3A_394 = arith.constant 16 : i32
      %add3A_395 = arith.addi %mul3A_21, %add3A_394 : i32
      %get3A_396 = arith.constant 14 : i64
      %get3A_397 = arith.index_cast %get3A_396 : i64 to index
      %get3A_398 = arith.index_cast %add3A_395 : i32 to index
      %get3A_399 = tpu.vector_load %arg5[%get3A_397, %get3A_398] {strides = array<i32>} : memref<32x1024xi32, #tpu.memory_space<vmem>>, vector<16xi32>,
      %broadcast_in_dim3A_400 = arith.constant 17 : i32
      %broadcast_in_dim3A_401 = vector.broadcast %broadcast_in_dim3A_400 : i32 to vector<16xi32>
      %broadcast_in_dim3A_402 = arith.constant 32 : i32
      %broadcast_in_dim3A_403 = vector.broadcast %broadcast_in_dim3A_402 : i32 to vector<16xi32>
      %sub3A_404 = arith.subi %broadcast_in_dim3A_403, %add3A_388 : vector<16xi32>
      %broadcast_in_dim3A_405 = arith.constant 32 : i32
      %broadcast_in_dim3A_406 = vector.broadcast %broadcast_in_dim3A_405 : i32 to vector<16xi32>
      %sub3A_407 = arith.subi %broadcast_in_dim3A_406, %add3A_389 : vector<16xi32>
      %gather3A_408 = tpu.vector_load_idx %arg6[%broadcast_in_dim3A_401, %sub3A_404] : memref<33x33xi32, #tpu.memory_space<vmem>>[vector<16xi32>, vector<16xi32>], vector<16xi32>,
      %gather3A_409 = tpu.vector_load_idx %arg6[%broadcast_in_dim3A_401, %sub3A_407] : memref<33x33xi32, #tpu.memory_space<vmem>>[vector<16xi32>, vector<16xi32>], vector<16xi32>,
      %mul3A_410 = arith.muli %gather3A_408, %get3A_393 : vector<16xi32>
      %add3A_411 = arith.addi %add3A_385, %mul3A_410 : vector<16xi32>
      %mul3A_412 = arith.muli %gather3A_409, %get3A_399 : vector<16xi32>
      %add3A_413 = arith.addi %add3A_387, %mul3A_412 : vector<16xi32>
      %add3A_414 = arith.addi %add3A_388, %get3A_393 : vector<16xi32>
      %add3A_415 = arith.addi %add3A_389, %get3A_399 : vector<16xi32>
      %get3A_416 = arith.constant 15 : i64
      %get3A_417 = arith.index_cast %get3A_416 : i64 to index
      %get3A_418 = arith.index_cast %mul3A_21 : i32 to index
      %get3A_419 = tpu.vector_load %arg5[%get3A_417, %get3A_418] {strides = array<i32>} : memref<32x1024xi32, #tpu.memory_space<vmem>>, vector<16xi32>,
      %add3A_420 = arith.constant 16 : i32
      %add3A_421 = arith.addi %mul3A_21, %add3A_420 : i32
      %get3A_422 = arith.constant 15 : i64
      %get3A_423 = arith.index_cast %get3A_422 : i64 to index
      %get3A_424 = arith.index_cast %add3A_421 : i32 to index
      %get3A_425 = tpu.vector_load %arg5[%get3A_423, %get3A_424] {strides = array<i32>} : memref<32x1024xi32, #tpu.memory_space<vmem>>, vector<16xi32>,
      %broadcast_in_dim3A_426 = arith.constant 16 : i32
      %broadcast_in_dim3A_427 = vector.broadcast %broadcast_in_dim3A_426 : i32 to vector<16xi32>
      %broadcast_in_dim3A_428 = arith.constant 32 : i32
      %broadcast_in_dim3A_429 = vector.broadcast %broadcast_in_dim3A_428 : i32 to vector<16xi32>
      %sub3A_430 = arith.subi %broadcast_in_dim3A_429, %add3A_414 : vector<16xi32>
      %broadcast_in_dim3A_431 = arith.constant 32 : i32
      %broadcast_in_dim3A_432 = vector.broadcast %broadcast_in_dim3A_431 : i32 to vector<16xi32>
      %sub3A_433 = arith.subi %broadcast_in_dim3A_432, %add3A_415 : vector<16xi32>
      %gather3A_434 = tpu.vector_load_idx %arg6[%broadcast_in_dim3A_427, %sub3A_430] : memref<33x33xi32, #tpu.memory_space<vmem>>[vector<16xi32>, vector<16xi32>], vector<16xi32>,
      %gather3A_435 = tpu.vector_load_idx %arg6[%broadcast_in_dim3A_427, %sub3A_433] : memref<33x33xi32, #tpu.memory_space<vmem>>[vector<16xi32>, vector<16xi32>], vector<16xi32>,
      %mul3A_436 = arith.muli %gather3A_434, %get3A_419 : vector<16xi32>
      %add3A_437 = arith.addi %add3A_411, %mul3A_436 : vector<16xi32>
      %mul3A_438 = arith.muli %gather3A_435, %get3A_425 : vector<16xi32>
      %add3A_439 = arith.addi %add3A_413, %mul3A_438 : vector<16xi32>
      %add3A_440 = arith.addi %add3A_414, %get3A_419 : vector<16xi32>
      %add3A_441 = arith.addi %add3A_415, %get3A_425 : vector<16xi32>
      %get3A_442 = arith.constant 16 : i64
      %get3A_443 = arith.index_cast %get3A_442 : i64 to index
      %get3A_444 = arith.index_cast %mul3A_21 : i32 to index
      %get3A_445 = tpu.vector_load %arg5[%get3A_443, %get3A_444] {strides = array<i32>} : memref<32x1024xi32, #tpu.memory_space<vmem>>, vector<16xi32>,
      %add3A_446 = arith.constant 16 : i32
      %add3A_447 = arith.addi %mul3A_21, %add3A_446 : i32
      %get3A_448 = arith.constant 16 : i64
      %get3A_449 = arith.index_cast %get3A_448 : i64 to index
      %get3A_450 = arith.index_cast %add3A_447 : i32 to index
      %get3A_451 = tpu.vector_load %arg5[%get3A_449, %get3A_450] {strides = array<i32>} : memref<32x1024xi32, #tpu.memory_space<vmem>>, vector<16xi32>,
      %broadcast_in_dim3A_452 = arith.constant 15 : i32
      %broadcast_in_dim3A_453 = vector.broadcast %broadcast_in_dim3A_452 : i32 to vector<16xi32>
      %broadcast_in_dim3A_454 = arith.constant 32 : i32
      %broadcast_in_dim3A_455 = vector.broadcast %broadcast_in_dim3A_454 : i32 to vector<16xi32>
      %sub3A_456 = arith.subi %broadcast_in_dim3A_455, %add3A_440 : vector<16xi32>
      %broadcast_in_dim3A_457 = arith.constant 32 : i32
      %broadcast_in_dim3A_458 = vector.broadcast %broadcast_in_dim3A_457 : i32 to vector<16xi32>
      %sub3A_459 = arith.subi %broadcast_in_dim3A_458, %add3A_441 : vector<16xi32>
      %gather3A_460 = tpu.vector_load_idx %arg6[%broadcast_in_dim3A_453, %sub3A_456] : memref<33x33xi32, #tpu.memory_space<vmem>>[vector<16xi32>, vector<16xi32>], vector<16xi32>,
      %gather3A_461 = tpu.vector_load_idx %arg6[%broadcast_in_dim3A_453, %sub3A_459] : memref<33x33xi32, #tpu.memory_space<vmem>>[vector<16xi32>, vector<16xi32>], vector<16xi32>,
      %mul3A_462 = arith.muli %gather3A_460, %get3A_445 : vector<16xi32>
      %add3A_463 = arith.addi %add3A_437, %mul3A_462 : vector<16xi32>
      %mul3A_464 = arith.muli %gather3A_461, %get3A_451 : vector<16xi32>
      %add3A_465 = arith.addi %add3A_439, %mul3A_464 : vector<16xi32>
      %add3A_466 = arith.addi %add3A_440, %get3A_445 : vector<16xi32>
      %add3A_467 = arith.addi %add3A_441, %get3A_451 : vector<16xi32>
      %get3A_468 = arith.constant 17 : i64
      %get3A_469 = arith.index_cast %get3A_468 : i64 to index
      %get3A_470 = arith.index_cast %mul3A_21 : i32 to index
      %get3A_471 = tpu.vector_load %arg5[%get3A_469, %get3A_470] {strides = array<i32>} : memref<32x1024xi32, #tpu.memory_space<vmem>>, vector<16xi32>,
      %add3A_472 = arith.constant 16 : i32
      %add3A_473 = arith.addi %mul3A_21, %add3A_472 : i32
      %get3A_474 = arith.constant 17 : i64
      %get3A_475 = arith.index_cast %get3A_474 : i64 to index
      %get3A_476 = arith.index_cast %add3A_473 : i32 to index
      %get3A_477 = tpu.vector_load %arg5[%get3A_475, %get3A_476] {strides = array<i32>} : memref<32x1024xi32, #tpu.memory_space<vmem>>, vector<16xi32>,
      %broadcast_in_dim3A_478 = arith.constant 14 : i32
      %broadcast_in_dim3A_479 = vector.broadcast %broadcast_in_dim3A_478 : i32 to vector<16xi32>
      %broadcast_in_dim3A_480 = arith.constant 32 : i32
      %broadcast_in_dim3A_481 = vector.broadcast %broadcast_in_dim3A_480 : i32 to vector<16xi32>
      %sub3A_482 = arith.subi %broadcast_in_dim3A_481, %add3A_466 : vector<16xi32>
      %broadcast_in_dim3A_483 = arith.constant 32 : i32
      %broadcast_in_dim3A_484 = vector.broadcast %broadcast_in_dim3A_483 : i32 to vector<16xi32>
      %sub3A_485 = arith.subi %broadcast_in_dim3A_484, %add3A_467 : vector<16xi32>
      %gather3A_486 = tpu.vector_load_idx %arg6[%broadcast_in_dim3A_479, %sub3A_482] : memref<33x33xi32, #tpu.memory_space<vmem>>[vector<16xi32>, vector<16xi32>], vector<16xi32>,
      %gather3A_487 = tpu.vector_load_idx %arg6[%broadcast_in_dim3A_479, %sub3A_485] : memref<33x33xi32, #tpu.memory_space<vmem>>[vector<16xi32>, vector<16xi32>], vector<16xi32>,
      %mul3A_488 = arith.muli %gather3A_486, %get3A_471 : vector<16xi32>
      %add3A_489 = arith.addi %add3A_463, %mul3A_488 : vector<16xi32>
      %mul3A_490 = arith.muli %gather3A_487, %get3A_477 : vector<16xi32>
      %add3A_491 = arith.addi %add3A_465, %mul3A_490 : vector<16xi32>
      %add3A_492 = arith.addi %add3A_466, %get3A_471 : vector<16xi32>
      %add3A_493 = arith.addi %add3A_467, %get3A_477 : vector<16xi32>
      %get3A_494 = arith.constant 18 : i64
      %get3A_495 = arith.index_cast %get3A_494 : i64 to index
      %get3A_496 = arith.index_cast %mul3A_21 : i32 to index
      %get3A_497 = tpu.vector_load %arg5[%get3A_495, %get3A_496] {strides = array<i32>} : memref<32x1024xi32, #tpu.memory_space<vmem>>, vector<16xi32>,
      %add3A_498 = arith.constant 16 : i32
      %add3A_499 = arith.addi %mul3A_21, %add3A_498 : i32
      %get3A_500 = arith.constant 18 : i64
      %get3A_501 = arith.index_cast %get3A_500 : i64 to index
      %get3A_502 = arith.index_cast %add3A_499 : i32 to index
      %get3A_503 = tpu.vector_load %arg5[%get3A_501, %get3A_502] {strides = array<i32>} : memref<32x1024xi32, #tpu.memory_space<vmem>>, vector<16xi32>,
      %broadcast_in_dim3A_504 = arith.constant 13 : i32
      %broadcast_in_dim3A_505 = vector.broadcast %broadcast_in_dim3A_504 : i32 to vector<16xi32>
      %broadcast_in_dim3A_506 = arith.constant 32 : i32
      %broadcast_in_dim3A_507 = vector.broadcast %broadcast_in_dim3A_506 : i32 to vector<16xi32>
      %sub3A_508 = arith.subi %broadcast_in_dim3A_507, %add3A_492 : vector<16xi32>
      %broadcast_in_dim3A_509 = arith.constant 32 : i32
      %broadcast_in_dim3A_510 = vector.broadcast %broadcast_in_dim3A_509 : i32 to vector<16xi32>
      %sub3A_511 = arith.subi %broadcast_in_dim3A_510, %add3A_493 : vector<16xi32>
      %gather3A_512 = tpu.vector_load_idx %arg6[%broadcast_in_dim3A_505, %sub3A_508] : memref<33x33xi32, #tpu.memory_space<vmem>>[vector<16xi32>, vector<16xi32>], vector<16xi32>,
      %gather3A_513 = tpu.vector_load_idx %arg6[%broadcast_in_dim3A_505, %sub3A_511] : memref<33x33xi32, #tpu.memory_space<vmem>>[vector<16xi32>, vector<16xi32>], vector<16xi32>,
      %mul3A_514 = arith.muli %gather3A_512, %get3A_497 : vector<16xi32>
      %add3A_515 = arith.addi %add3A_489, %mul3A_514 : vector<16xi32>
      %mul3A_516 = arith.muli %gather3A_513, %get3A_503 : vector<16xi32>
      %add3A_517 = arith.addi %add3A_491, %mul3A_516 : vector<16xi32>
      %add3A_518 = arith.addi %add3A_492, %get3A_497 : vector<16xi32>
      %add3A_519 = arith.addi %add3A_493, %get3A_503 : vector<16xi32>
      %get3A_520 = arith.constant 19 : i64
      %get3A_521 = arith.index_cast %get3A_520 : i64 to index
      %get3A_522 = arith.index_cast %mul3A_21 : i32 to index
      %get3A_523 = tpu.vector_load %arg5[%get3A_521, %get3A_522] {strides = array<i32>} : memref<32x1024xi32, #tpu.memory_space<vmem>>, vector<16xi32>,
      %add3A_524 = arith.constant 16 : i32
      %add3A_525 = arith.addi %mul3A_21, %add3A_524 : i32
      %get3A_526 = arith.constant 19 : i64
      %get3A_527 = arith.index_cast %get3A_526 : i64 to index
      %get3A_528 = arith.index_cast %add3A_525 : i32 to index
      %get3A_529 = tpu.vector_load %arg5[%get3A_527, %get3A_528] {strides = array<i32>} : memref<32x1024xi32, #tpu.memory_space<vmem>>, vector<16xi32>,
      %broadcast_in_dim3A_530 = arith.constant 12 : i32
      %broadcast_in_dim3A_531 = vector.broadcast %broadcast_in_dim3A_530 : i32 to vector<16xi32>
      %broadcast_in_dim3A_532 = arith.constant 32 : i32
      %broadcast_in_dim3A_533 = vector.broadcast %broadcast_in_dim3A_532 : i32 to vector<16xi32>
      %sub3A_534 = arith.subi %broadcast_in_dim3A_533, %add3A_518 : vector<16xi32>
      %broadcast_in_dim3A_535 = arith.constant 32 : i32
      %broadcast_in_dim3A_536 = vector.broadcast %broadcast_in_dim3A_535 : i32 to vector<16xi32>
      %sub3A_537 = arith.subi %broadcast_in_dim3A_536, %add3A_519 : vector<16xi32>
      %gather3A_538 = tpu.vector_load_idx %arg6[%broadcast_in_dim3A_531, %sub3A_534] : memref<33x33xi32, #tpu.memory_space<vmem>>[vector<16xi32>, vector<16xi32>], vector<16xi32>,
      %gather3A_539 = tpu.vector_load_idx %arg6[%broadcast_in_dim3A_531, %sub3A_537] : memref<33x33xi32, #tpu.memory_space<vmem>>[vector<16xi32>, vector<16xi32>], vector<16xi32>,
      %mul3A_540 = arith.muli %gather3A_538, %get3A_523 : vector<16xi32>
      %add3A_541 = arith.addi %add3A_515, %mul3A_540 : vector<16xi32>
      %mul3A_542 = arith.muli %gather3A_539, %get3A_529 : vector<16xi32>
      %add3A_543 = arith.addi %add3A_517, %mul3A_542 : vector<16xi32>
      %add3A_544 = arith.addi %add3A_518, %get3A_523 : vector<16xi32>
      %add3A_545 = arith.addi %add3A_519, %get3A_529 : vector<16xi32>
      %get3A_546 = arith.constant 20 : i64
      %get3A_547 = arith.index_cast %get3A_546 : i64 to index
      %get3A_548 = arith.index_cast %mul3A_21 : i32 to index
      %get3A_549 = tpu.vector_load %arg5[%get3A_547, %get3A_548] {strides = array<i32>} : memref<32x1024xi32, #tpu.memory_space<vmem>>, vector<16xi32>,
      %add3A_550 = arith.constant 16 : i32
      %add3A_551 = arith.addi %mul3A_21, %add3A_550 : i32
      %get3A_552 = arith.constant 20 : i64
      %get3A_553 = arith.index_cast %get3A_552 : i64 to index
      %get3A_554 = arith.index_cast %add3A_551 : i32 to index
      %get3A_555 = tpu.vector_load %arg5[%get3A_553, %get3A_554] {strides = array<i32>} : memref<32x1024xi32, #tpu.memory_space<vmem>>, vector<16xi32>,
      %broadcast_in_dim3A_556 = arith.constant 11 : i32
      %broadcast_in_dim3A_557 = vector.broadcast %broadcast_in_dim3A_556 : i32 to vector<16xi32>
      %broadcast_in_dim3A_558 = arith.constant 32 : i32
      %broadcast_in_dim3A_559 = vector.broadcast %broadcast_in_dim3A_558 : i32 to vector<16xi32>
      %sub3A_560 = arith.subi %broadcast_in_dim3A_559, %add3A_544 : vector<16xi32>
      %broadcast_in_dim3A_561 = arith.constant 32 : i32
      %broadcast_in_dim3A_562 = vector.broadcast %broadcast_in_dim3A_561 : i32 to vector<16xi32>
      %sub3A_563 = arith.subi %broadcast_in_dim3A_562, %add3A_545 : vector<16xi32>
      %gather3A_564 = tpu.vector_load_idx %arg6[%broadcast_in_dim3A_557, %sub3A_560] : memref<33x33xi32, #tpu.memory_space<vmem>>[vector<16xi32>, vector<16xi32>], vector<16xi32>,
      %gather3A_565 = tpu.vector_load_idx %arg6[%broadcast_in_dim3A_557, %sub3A_563] : memref<33x33xi32, #tpu.memory_space<vmem>>[vector<16xi32>, vector<16xi32>], vector<16xi32>,
      %mul3A_566 = arith.muli %gather3A_564, %get3A_549 : vector<16xi32>
      %add3A_567 = arith.addi %add3A_541, %mul3A_566 : vector<16xi32>
      %mul3A_568 = arith.muli %gather3A_565, %get3A_555 : vector<16xi32>
      %add3A_569 = arith.addi %add3A_543, %mul3A_568 : vector<16xi32>
      %add3A_570 = arith.addi %add3A_544, %get3A_549 : vector<16xi32>
      %add3A_571 = arith.addi %add3A_545, %get3A_555 : vector<16xi32>
      %get3A_572 = arith.constant 21 : i64
      %get3A_573 = arith.index_cast %get3A_572 : i64 to index
      %get3A_574 = arith.index_cast %mul3A_21 : i32 to index
      %get3A_575 = tpu.vector_load %arg5[%get3A_573, %get3A_574] {strides = array<i32>} : memref<32x1024xi32, #tpu.memory_space<vmem>>, vector<16xi32>,
      %add3A_576 = arith.constant 16 : i32
      %add3A_577 = arith.addi %mul3A_21, %add3A_576 : i32
      %get3A_578 = arith.constant 21 : i64
      %get3A_579 = arith.index_cast %get3A_578 : i64 to index
      %get3A_580 = arith.index_cast %add3A_577 : i32 to index
      %get3A_581 = tpu.vector_load %arg5[%get3A_579, %get3A_580] {strides = array<i32>} : memref<32x1024xi32, #tpu.memory_space<vmem>>, vector<16xi32>,
      %broadcast_in_dim3A_582 = arith.constant 10 : i32
      %broadcast_in_dim3A_583 = vector.broadcast %broadcast_in_dim3A_582 : i32 to vector<16xi32>
      %broadcast_in_dim3A_584 = arith.constant 32 : i32
      %broadcast_in_dim3A_585 = vector.broadcast %broadcast_in_dim3A_584 : i32 to vector<16xi32>
      %sub3A_586 = arith.subi %broadcast_in_dim3A_585, %add3A_570 : vector<16xi32>
      %broadcast_in_dim3A_587 = arith.constant 32 : i32
      %broadcast_in_dim3A_588 = vector.broadcast %broadcast_in_dim3A_587 : i32 to vector<16xi32>
      %sub3A_589 = arith.subi %broadcast_in_dim3A_588, %add3A_571 : vector<16xi32>
      %gather3A_590 = tpu.vector_load_idx %arg6[%broadcast_in_dim3A_583, %sub3A_586] : memref<33x33xi32, #tpu.memory_space<vmem>>[vector<16xi32>, vector<16xi32>], vector<16xi32>,
      %gather3A_591 = tpu.vector_load_idx %arg6[%broadcast_in_dim3A_583, %sub3A_589] : memref<33x33xi32, #tpu.memory_space<vmem>>[vector<16xi32>, vector<16xi32>], vector<16xi32>,
      %mul3A_592 = arith.muli %gather3A_590, %get3A_575 : vector<16xi32>
      %add3A_593 = arith.addi %add3A_567, %mul3A_592 : vector<16xi32>
      %mul3A_594 = arith.muli %gather3A_591, %get3A_581 : vector<16xi32>
      %add3A_595 = arith.addi %add3A_569, %mul3A_594 : vector<16xi32>
      %add3A_596 = arith.addi %add3A_570, %get3A_575 : vector<16xi32>
      %add3A_597 = arith.addi %add3A_571, %get3A_581 : vector<16xi32>
      %get3A_598 = arith.constant 22 : i64
      %get3A_599 = arith.index_cast %get3A_598 : i64 to index
      %get3A_600 = arith.index_cast %mul3A_21 : i32 to index
      %get3A_601 = tpu.vector_load %arg5[%get3A_599, %get3A_600] {strides = array<i32>} : memref<32x1024xi32, #tpu.memory_space<vmem>>, vector<16xi32>,
      %add3A_602 = arith.constant 16 : i32
      %add3A_603 = arith.addi %mul3A_21, %add3A_602 : i32
      %get3A_604 = arith.constant 22 : i64
      %get3A_605 = arith.index_cast %get3A_604 : i64 to index
      %get3A_606 = arith.index_cast %add3A_603 : i32 to index
      %get3A_607 = tpu.vector_load %arg5[%get3A_605, %get3A_606] {strides = array<i32>} : memref<32x1024xi32, #tpu.memory_space<vmem>>, vector<16xi32>,
      %broadcast_in_dim3A_608 = arith.constant 9 : i32
      %broadcast_in_dim3A_609 = vector.broadcast %broadcast_in_dim3A_608 : i32 to vector<16xi32>
      %broadcast_in_dim3A_610 = arith.constant 32 : i32
      %broadcast_in_dim3A_611 = vector.broadcast %broadcast_in_dim3A_610 : i32 to vector<16xi32>
      %sub3A_612 = arith.subi %broadcast_in_dim3A_611, %add3A_596 : vector<16xi32>
      %broadcast_in_dim3A_613 = arith.constant 32 : i32
      %broadcast_in_dim3A_614 = vector.broadcast %broadcast_in_dim3A_613 : i32 to vector<16xi32>
      %sub3A_615 = arith.subi %broadcast_in_dim3A_614, %add3A_597 : vector<16xi32>
      %gather3A_616 = tpu.vector_load_idx %arg6[%broadcast_in_dim3A_609, %sub3A_612] : memref<33x33xi32, #tpu.memory_space<vmem>>[vector<16xi32>, vector<16xi32>], vector<16xi32>,
      %gather3A_617 = tpu.vector_load_idx %arg6[%broadcast_in_dim3A_609, %sub3A_615] : memref<33x33xi32, #tpu.memory_space<vmem>>[vector<16xi32>, vector<16xi32>], vector<16xi32>,
      %mul3A_618 = arith.muli %gather3A_616, %get3A_601 : vector<16xi32>
      %add3A_619 = arith.addi %add3A_593, %mul3A_618 : vector<16xi32>
      %mul3A_620 = arith.muli %gather3A_617, %get3A_607 : vector<16xi32>
      %add3A_621 = arith.addi %add3A_595, %mul3A_620 : vector<16xi32>
      %add3A_622 = arith.addi %add3A_596, %get3A_601 : vector<16xi32>
      %add3A_623 = arith.addi %add3A_597, %get3A_607 : vector<16xi32>
      %get3A_624 = arith.constant 23 : i64
      %get3A_625 = arith.index_cast %get3A_624 : i64 to index
      %get3A_626 = arith.index_cast %mul3A_21 : i32 to index
      %get3A_627 = tpu.vector_load %arg5[%get3A_625, %get3A_626] {strides = array<i32>} : memref<32x1024xi32, #tpu.memory_space<vmem>>, vector<16xi32>,
      %add3A_628 = arith.constant 16 : i32
      %add3A_629 = arith.addi %mul3A_21, %add3A_628 : i32
      %get3A_630 = arith.constant 23 : i64
      %get3A_631 = arith.index_cast %get3A_630 : i64 to index
      %get3A_632 = arith.index_cast %add3A_629 : i32 to index
      %get3A_633 = tpu.vector_load %arg5[%get3A_631, %get3A_632] {strides = array<i32>} : memref<32x1024xi32, #tpu.memory_space<vmem>>, vector<16xi32>,
      %broadcast_in_dim3A_634 = arith.constant 8 : i32
      %broadcast_in_dim3A_635 = vector.broadcast %broadcast_in_dim3A_634 : i32 to vector<16xi32>
      %broadcast_in_dim3A_636 = arith.constant 32 : i32
      %broadcast_in_dim3A_637 = vector.broadcast %broadcast_in_dim3A_636 : i32 to vector<16xi32>
      %sub3A_638 = arith.subi %broadcast_in_dim3A_637, %add3A_622 : vector<16xi32>
      %broadcast_in_dim3A_639 = arith.constant 32 : i32
      %broadcast_in_dim3A_640 = vector.broadcast %broadcast_in_dim3A_639 : i32 to vector<16xi32>
      %sub3A_641 = arith.subi %broadcast_in_dim3A_640, %add3A_623 : vector<16xi32>
      %gather3A_642 = tpu.vector_load_idx %arg6[%broadcast_in_dim3A_635, %sub3A_638] : memref<33x33xi32, #tpu.memory_space<vmem>>[vector<16xi32>, vector<16xi32>], vector<16xi32>,
      %gather3A_643 = tpu.vector_load_idx %arg6[%broadcast_in_dim3A_635, %sub3A_641] : memref<33x33xi32, #tpu.memory_space<vmem>>[vector<16xi32>, vector<16xi32>], vector<16xi32>,
      %mul3A_644 = arith.muli %gather3A_642, %get3A_627 : vector<16xi32>
      %add3A_645 = arith.addi %add3A_619, %mul3A_644 : vector<16xi32>
      %mul3A_646 = arith.muli %gather3A_643, %get3A_633 : vector<16xi32>
      %add3A_647 = arith.addi %add3A_621, %mul3A_646 : vector<16xi32>
      %add3A_648 = arith.addi %add3A_622, %get3A_627 : vector<16xi32>
      %add3A_649 = arith.addi %add3A_623, %get3A_633 : vector<16xi32>
      %get3A_650 = arith.constant 24 : i64
      %get3A_651 = arith.index_cast %get3A_650 : i64 to index
      %get3A_652 = arith.index_cast %mul3A_21 : i32 to index
      %get3A_653 = tpu.vector_load %arg5[%get3A_651, %get3A_652] {strides = array<i32>} : memref<32x1024xi32, #tpu.memory_space<vmem>>, vector<16xi32>,
      %add3A_654 = arith.constant 16 : i32
      %add3A_655 = arith.addi %mul3A_21, %add3A_654 : i32
      %get3A_656 = arith.constant 24 : i64
      %get3A_657 = arith.index_cast %get3A_656 : i64 to index
      %get3A_658 = arith.index_cast %add3A_655 : i32 to index
      %get3A_659 = tpu.vector_load %arg5[%get3A_657, %get3A_658] {strides = array<i32>} : memref<32x1024xi32, #tpu.memory_space<vmem>>, vector<16xi32>,
      %broadcast_in_dim3A_660 = arith.constant 7 : i32
      %broadcast_in_dim3A_661 = vector.broadcast %broadcast_in_dim3A_660 : i32 to vector<16xi32>
      %broadcast_in_dim3A_662 = arith.constant 32 : i32
      %broadcast_in_dim3A_663 = vector.broadcast %broadcast_in_dim3A_662 : i32 to vector<16xi32>
      %sub3A_664 = arith.subi %broadcast_in_dim3A_663, %add3A_648 : vector<16xi32>
      %broadcast_in_dim3A_665 = arith.constant 32 : i32
      %broadcast_in_dim3A_666 = vector.broadcast %broadcast_in_dim3A_665 : i32 to vector<16xi32>
      %sub3A_667 = arith.subi %broadcast_in_dim3A_666, %add3A_649 : vector<16xi32>
      %gather3A_668 = tpu.vector_load_idx %arg6[%broadcast_in_dim3A_661, %sub3A_664] : memref<33x33xi32, #tpu.memory_space<vmem>>[vector<16xi32>, vector<16xi32>], vector<16xi32>,
      %gather3A_669 = tpu.vector_load_idx %arg6[%broadcast_in_dim3A_661, %sub3A_667] : memref<33x33xi32, #tpu.memory_space<vmem>>[vector<16xi32>, vector<16xi32>], vector<16xi32>,
      %mul3A_670 = arith.muli %gather3A_668, %get3A_653 : vector<16xi32>
      %add3A_671 = arith.addi %add3A_645, %mul3A_670 : vector<16xi32>
      %mul3A_672 = arith.muli %gather3A_669, %get3A_659 : vector<16xi32>
      %add3A_673 = arith.addi %add3A_647, %mul3A_672 : vector<16xi32>
      %add3A_674 = arith.addi %add3A_648, %get3A_653 : vector<16xi32>
      %add3A_675 = arith.addi %add3A_649, %get3A_659 : vector<16xi32>
      %get3A_676 = arith.constant 25 : i64
      %get3A_677 = arith.index_cast %get3A_676 : i64 to index
      %get3A_678 = arith.index_cast %mul3A_21 : i32 to index
      %get3A_679 = tpu.vector_load %arg5[%get3A_677, %get3A_678] {strides = array<i32>} : memref<32x1024xi32, #tpu.memory_space<vmem>>, vector<16xi32>,
      %add3A_680 = arith.constant 16 : i32
      %add3A_681 = arith.addi %mul3A_21, %add3A_680 : i32
      %get3A_682 = arith.constant 25 : i64
      %get3A_683 = arith.index_cast %get3A_682 : i64 to index
      %get3A_684 = arith.index_cast %add3A_681 : i32 to index
      %get3A_685 = tpu.vector_load %arg5[%get3A_683, %get3A_684] {strides = array<i32>} : memref<32x1024xi32, #tpu.memory_space<vmem>>, vector<16xi32>,
      %broadcast_in_dim3A_686 = arith.constant 6 : i32
      %broadcast_in_dim3A_687 = vector.broadcast %broadcast_in_dim3A_686 : i32 to vector<16xi32>
      %broadcast_in_dim3A_688 = arith.constant 32 : i32
      %broadcast_in_dim3A_689 = vector.broadcast %broadcast_in_dim3A_688 : i32 to vector<16xi32>
      %sub3A_690 = arith.subi %broadcast_in_dim3A_689, %add3A_674 : vector<16xi32>
      %broadcast_in_dim3A_691 = arith.constant 32 : i32
      %broadcast_in_dim3A_692 = vector.broadcast %broadcast_in_dim3A_691 : i32 to vector<16xi32>
      %sub3A_693 = arith.subi %broadcast_in_dim3A_692, %add3A_675 : vector<16xi32>
      %gather3A_694 = tpu.vector_load_idx %arg6[%broadcast_in_dim3A_687, %sub3A_690] : memref<33x33xi32, #tpu.memory_space<vmem>>[vector<16xi32>, vector<16xi32>], vector<16xi32>,
      %gather3A_695 = tpu.vector_load_idx %arg6[%broadcast_in_dim3A_687, %sub3A_693] : memref<33x33xi32, #tpu.memory_space<vmem>>[vector<16xi32>, vector<16xi32>], vector<16xi32>,
      %mul3A_696 = arith.muli %gather3A_694, %get3A_679 : vector<16xi32>
      %add3A_697 = arith.addi %add3A_671, %mul3A_696 : vector<16xi32>
      %mul3A_698 = arith.muli %gather3A_695, %get3A_685 : vector<16xi32>
      %add3A_699 = arith.addi %add3A_673, %mul3A_698 : vector<16xi32>
      %add3A_700 = arith.addi %add3A_674, %get3A_679 : vector<16xi32>
      %add3A_701 = arith.addi %add3A_675, %get3A_685 : vector<16xi32>
      %get3A_702 = arith.constant 26 : i64
      %get3A_703 = arith.index_cast %get3A_702 : i64 to index
      %get3A_704 = arith.index_cast %mul3A_21 : i32 to index
      %get3A_705 = tpu.vector_load %arg5[%get3A_703, %get3A_704] {strides = array<i32>} : memref<32x1024xi32, #tpu.memory_space<vmem>>, vector<16xi32>,
      %add3A_706 = arith.constant 16 : i32
      %add3A_707 = arith.addi %mul3A_21, %add3A_706 : i32
      %get3A_708 = arith.constant 26 : i64
      %get3A_709 = arith.index_cast %get3A_708 : i64 to index
      %get3A_710 = arith.index_cast %add3A_707 : i32 to index
      %get3A_711 = tpu.vector_load %arg5[%get3A_709, %get3A_710] {strides = array<i32>} : memref<32x1024xi32, #tpu.memory_space<vmem>>, vector<16xi32>,
      %broadcast_in_dim3A_712 = arith.constant 5 : i32
      %broadcast_in_dim3A_713 = vector.broadcast %broadcast_in_dim3A_712 : i32 to vector<16xi32>
      %broadcast_in_dim3A_714 = arith.constant 32 : i32
      %broadcast_in_dim3A_715 = vector.broadcast %broadcast_in_dim3A_714 : i32 to vector<16xi32>
      %sub3A_716 = arith.subi %broadcast_in_dim3A_715, %add3A_700 : vector<16xi32>
      %broadcast_in_dim3A_717 = arith.constant 32 : i32
      %broadcast_in_dim3A_718 = vector.broadcast %broadcast_in_dim3A_717 : i32 to vector<16xi32>
      %sub3A_719 = arith.subi %broadcast_in_dim3A_718, %add3A_701 : vector<16xi32>
      %gather3A_720 = tpu.vector_load_idx %arg6[%broadcast_in_dim3A_713, %sub3A_716] : memref<33x33xi32, #tpu.memory_space<vmem>>[vector<16xi32>, vector<16xi32>], vector<16xi32>,
      %gather3A_721 = tpu.vector_load_idx %arg6[%broadcast_in_dim3A_713, %sub3A_719] : memref<33x33xi32, #tpu.memory_space<vmem>>[vector<16xi32>, vector<16xi32>], vector<16xi32>,
      %mul3A_722 = arith.muli %gather3A_720, %get3A_705 : vector<16xi32>
      %add3A_723 = arith.addi %add3A_697, %mul3A_722 : vector<16xi32>
      %mul3A_724 = arith.muli %gather3A_721, %get3A_711 : vector<16xi32>
      %add3A_725 = arith.addi %add3A_699, %mul3A_724 : vector<16xi32>
      %add3A_726 = arith.addi %add3A_700, %get3A_705 : vector<16xi32>
      %add3A_727 = arith.addi %add3A_701, %get3A_711 : vector<16xi32>
      %get3A_728 = arith.constant 27 : i64
      %get3A_729 = arith.index_cast %get3A_728 : i64 to index
      %get3A_730 = arith.index_cast %mul3A_21 : i32 to index
      %get3A_731 = tpu.vector_load %arg5[%get3A_729, %get3A_730] {strides = array<i32>} : memref<32x1024xi32, #tpu.memory_space<vmem>>, vector<16xi32>,
      %add3A_732 = arith.constant 16 : i32
      %add3A_733 = arith.addi %mul3A_21, %add3A_732 : i32
      %get3A_734 = arith.constant 27 : i64
      %get3A_735 = arith.index_cast %get3A_734 : i64 to index
      %get3A_736 = arith.index_cast %add3A_733 : i32 to index
      %get3A_737 = tpu.vector_load %arg5[%get3A_735, %get3A_736] {strides = array<i32>} : memref<32x1024xi32, #tpu.memory_space<vmem>>, vector<16xi32>,
      %broadcast_in_dim3A_738 = arith.constant 4 : i32
      %broadcast_in_dim3A_739 = vector.broadcast %broadcast_in_dim3A_738 : i32 to vector<16xi32>
      %broadcast_in_dim3A_740 = arith.constant 32 : i32
      %broadcast_in_dim3A_741 = vector.broadcast %broadcast_in_dim3A_740 : i32 to vector<16xi32>
      %sub3A_742 = arith.subi %broadcast_in_dim3A_741, %add3A_726 : vector<16xi32>
      %broadcast_in_dim3A_743 = arith.constant 32 : i32
      %broadcast_in_dim3A_744 = vector.broadcast %broadcast_in_dim3A_743 : i32 to vector<16xi32>
      %sub3A_745 = arith.subi %broadcast_in_dim3A_744, %add3A_727 : vector<16xi32>
      %gather3A_746 = tpu.vector_load_idx %arg6[%broadcast_in_dim3A_739, %sub3A_742] : memref<33x33xi32, #tpu.memory_space<vmem>>[vector<16xi32>, vector<16xi32>], vector<16xi32>,
      %gather3A_747 = tpu.vector_load_idx %arg6[%broadcast_in_dim3A_739, %sub3A_745] : memref<33x33xi32, #tpu.memory_space<vmem>>[vector<16xi32>, vector<16xi32>], vector<16xi32>,
      %mul3A_748 = arith.muli %gather3A_746, %get3A_731 : vector<16xi32>
      %add3A_749 = arith.addi %add3A_723, %mul3A_748 : vector<16xi32>
      %mul3A_750 = arith.muli %gather3A_747, %get3A_737 : vector<16xi32>
      %add3A_751 = arith.addi %add3A_725, %mul3A_750 : vector<16xi32>
      %add3A_752 = arith.addi %add3A_726, %get3A_731 : vector<16xi32>
      %add3A_753 = arith.addi %add3A_727, %get3A_737 : vector<16xi32>
      %get3A_754 = arith.constant 28 : i64
      %get3A_755 = arith.index_cast %get3A_754 : i64 to index
      %get3A_756 = arith.index_cast %mul3A_21 : i32 to index
      %get3A_757 = tpu.vector_load %arg5[%get3A_755, %get3A_756] {strides = array<i32>} : memref<32x1024xi32, #tpu.memory_space<vmem>>, vector<16xi32>,
      %add3A_758 = arith.constant 16 : i32
      %add3A_759 = arith.addi %mul3A_21, %add3A_758 : i32
      %get3A_760 = arith.constant 28 : i64
      %get3A_761 = arith.index_cast %get3A_760 : i64 to index
      %get3A_762 = arith.index_cast %add3A_759 : i32 to index
      %get3A_763 = tpu.vector_load %arg5[%get3A_761, %get3A_762] {strides = array<i32>} : memref<32x1024xi32, #tpu.memory_space<vmem>>, vector<16xi32>,
      %broadcast_in_dim3A_764 = arith.constant 3 : i32
      %broadcast_in_dim3A_765 = vector.broadcast %broadcast_in_dim3A_764 : i32 to vector<16xi32>
      %broadcast_in_dim3A_766 = arith.constant 32 : i32
      %broadcast_in_dim3A_767 = vector.broadcast %broadcast_in_dim3A_766 : i32 to vector<16xi32>
      %sub3A_768 = arith.subi %broadcast_in_dim3A_767, %add3A_752 : vector<16xi32>
      %broadcast_in_dim3A_769 = arith.constant 32 : i32
      %broadcast_in_dim3A_770 = vector.broadcast %broadcast_in_dim3A_769 : i32 to vector<16xi32>
      %sub3A_771 = arith.subi %broadcast_in_dim3A_770, %add3A_753 : vector<16xi32>
      %gather3A_772 = tpu.vector_load_idx %arg6[%broadcast_in_dim3A_765, %sub3A_768] : memref<33x33xi32, #tpu.memory_space<vmem>>[vector<16xi32>, vector<16xi32>], vector<16xi32>,
      %gather3A_773 = tpu.vector_load_idx %arg6[%broadcast_in_dim3A_765, %sub3A_771] : memref<33x33xi32, #tpu.memory_space<vmem>>[vector<16xi32>, vector<16xi32>], vector<16xi32>,
      %mul3A_774 = arith.muli %gather3A_772, %get3A_757 : vector<16xi32>
      %add3A_775 = arith.addi %add3A_749, %mul3A_774 : vector<16xi32>
      %mul3A_776 = arith.muli %gather3A_773, %get3A_763 : vector<16xi32>
      %add3A_777 = arith.addi %add3A_751, %mul3A_776 : vector<16xi32>
      %add3A_778 = arith.addi %add3A_752, %get3A_757 : vector<16xi32>
      %add3A_779 = arith.addi %add3A_753, %get3A_763 : vector<16xi32>
      %get3A_780 = arith.constant 29 : i64
      %get3A_781 = arith.index_cast %get3A_780 : i64 to index
      %get3A_782 = arith.index_cast %mul3A_21 : i32 to index
      %get3A_783 = tpu.vector_load %arg5[%get3A_781, %get3A_782] {strides = array<i32>} : memref<32x1024xi32, #tpu.memory_space<vmem>>, vector<16xi32>,
      %add3A_784 = arith.constant 16 : i32
      %add3A_785 = arith.addi %mul3A_21, %add3A_784 : i32
      %get3A_786 = arith.constant 29 : i64
      %get3A_787 = arith.index_cast %get3A_786 : i64 to index
      %get3A_788 = arith.index_cast %add3A_785 : i32 to index
      %get3A_789 = tpu.vector_load %arg5[%get3A_787, %get3A_788] {strides = array<i32>} : memref<32x1024xi32, #tpu.memory_space<vmem>>, vector<16xi32>,
      %broadcast_in_dim3A_790 = arith.constant 2 : i32
      %broadcast_in_dim3A_791 = vector.broadcast %broadcast_in_dim3A_790 : i32 to vector<16xi32>
      %broadcast_in_dim3A_792 = arith.constant 32 : i32
      %broadcast_in_dim3A_793 = vector.broadcast %broadcast_in_dim3A_792 : i32 to vector<16xi32>
      %sub3A_794 = arith.subi %broadcast_in_dim3A_793, %add3A_778 : vector<16xi32>
      %broadcast_in_dim3A_795 = arith.constant 32 : i32
      %broadcast_in_dim3A_796 = vector.broadcast %broadcast_in_dim3A_795 : i32 to vector<16xi32>
      %sub3A_797 = arith.subi %broadcast_in_dim3A_796, %add3A_779 : vector<16xi32>
      %gather3A_798 = tpu.vector_load_idx %arg6[%broadcast_in_dim3A_791, %sub3A_794] : memref<33x33xi32, #tpu.memory_space<vmem>>[vector<16xi32>, vector<16xi32>], vector<16xi32>,
      %gather3A_799 = tpu.vector_load_idx %arg6[%broadcast_in_dim3A_791, %sub3A_797] : memref<33x33xi32, #tpu.memory_space<vmem>>[vector<16xi32>, vector<16xi32>], vector<16xi32>,
      %mul3A_800 = arith.muli %gather3A_798, %get3A_783 : vector<16xi32>
      %add3A_801 = arith.addi %add3A_775, %mul3A_800 : vector<16xi32>
      %mul3A_802 = arith.muli %gather3A_799, %get3A_789 : vector<16xi32>
      %add3A_803 = arith.addi %add3A_777, %mul3A_802 : vector<16xi32>
      %add3A_804 = arith.addi %add3A_778, %get3A_783 : vector<16xi32>
      %add3A_805 = arith.addi %add3A_779, %get3A_789 : vector<16xi32>
      %get3A_806 = arith.constant 30 : i64
      %get3A_807 = arith.index_cast %get3A_806 : i64 to index
      %get3A_808 = arith.index_cast %mul3A_21 : i32 to index
      %get3A_809 = tpu.vector_load %arg5[%get3A_807, %get3A_808] {strides = array<i32>} : memref<32x1024xi32, #tpu.memory_space<vmem>>, vector<16xi32>,
      %add3A_810 = arith.constant 16 : i32
      %add3A_811 = arith.addi %mul3A_21, %add3A_810 : i32
      %get3A_812 = arith.constant 30 : i64
      %get3A_813 = arith.index_cast %get3A_812 : i64 to index
      %get3A_814 = arith.index_cast %add3A_811 : i32 to index
      %get3A_815 = tpu.vector_load %arg5[%get3A_813, %get3A_814] {strides = array<i32>} : memref<32x1024xi32, #tpu.memory_space<vmem>>, vector<16xi32>,
      %broadcast_in_dim3A_816 = arith.constant 1 : i32
      %broadcast_in_dim3A_817 = vector.broadcast %broadcast_in_dim3A_816 : i32 to vector<16xi32>
      %broadcast_in_dim3A_818 = arith.constant 32 : i32
      %broadcast_in_dim3A_819 = vector.broadcast %broadcast_in_dim3A_818 : i32 to vector<16xi32>
      %sub3A_820 = arith.subi %broadcast_in_dim3A_819, %add3A_804 : vector<16xi32>
      %broadcast_in_dim3A_821 = arith.constant 32 : i32
      %broadcast_in_dim3A_822 = vector.broadcast %broadcast_in_dim3A_821 : i32 to vector<16xi32>
      %sub3A_823 = arith.subi %broadcast_in_dim3A_822, %add3A_805 : vector<16xi32>
      %gather3A_824 = tpu.vector_load_idx %arg6[%broadcast_in_dim3A_817, %sub3A_820] : memref<33x33xi32, #tpu.memory_space<vmem>>[vector<16xi32>, vector<16xi32>], vector<16xi32>,
      %gather3A_825 = tpu.vector_load_idx %arg6[%broadcast_in_dim3A_817, %sub3A_823] : memref<33x33xi32, #tpu.memory_space<vmem>>[vector<16xi32>, vector<16xi32>], vector<16xi32>,
      %mul3A_826 = arith.muli %gather3A_824, %get3A_809 : vector<16xi32>
      %add3A_827 = arith.addi %add3A_801, %mul3A_826 : vector<16xi32>
      %mul3A_828 = arith.muli %gather3A_825, %get3A_815 : vector<16xi32>
      %add3A_829 = arith.addi %add3A_803, %mul3A_828 : vector<16xi32>
      %add3A_830 = arith.addi %add3A_804, %get3A_809 : vector<16xi32>
      %add3A_831 = arith.addi %add3A_805, %get3A_815 : vector<16xi32>
      %get3A_832 = arith.constant 31 : i64
      %get3A_833 = arith.index_cast %get3A_832 : i64 to index
      %get3A_834 = arith.index_cast %mul3A_21 : i32 to index
      %get3A_835 = tpu.vector_load %arg5[%get3A_833, %get3A_834] {strides = array<i32>} : memref<32x1024xi32, #tpu.memory_space<vmem>>, vector<16xi32>,
      %add3A_836 = arith.constant 16 : i32
      %add3A_837 = arith.addi %mul3A_21, %add3A_836 : i32
      %get3A_838 = arith.constant 31 : i64
      %get3A_839 = arith.index_cast %get3A_838 : i64 to index
      %get3A_840 = arith.index_cast %add3A_837 : i32 to index
      %get3A_841 = tpu.vector_load %arg5[%get3A_839, %get3A_840] {strides = array<i32>} : memref<32x1024xi32, #tpu.memory_space<vmem>>, vector<16xi32>,
      %broadcast_in_dim3A_842 = arith.constant 0 : i32
      %broadcast_in_dim3A_843 = vector.broadcast %broadcast_in_dim3A_842 : i32 to vector<16xi32>
      %broadcast_in_dim3A_844 = arith.constant 32 : i32
      %broadcast_in_dim3A_845 = vector.broadcast %broadcast_in_dim3A_844 : i32 to vector<16xi32>
      %sub3A_846 = arith.subi %broadcast_in_dim3A_845, %add3A_830 : vector<16xi32>
      %broadcast_in_dim3A_847 = arith.constant 32 : i32
      %broadcast_in_dim3A_848 = vector.broadcast %broadcast_in_dim3A_847 : i32 to vector<16xi32>
      %sub3A_849 = arith.subi %broadcast_in_dim3A_848, %add3A_831 : vector<16xi32>
      %gather3A_850 = tpu.vector_load_idx %arg6[%broadcast_in_dim3A_843, %sub3A_846] : memref<33x33xi32, #tpu.memory_space<vmem>>[vector<16xi32>, vector<16xi32>], vector<16xi32>,
      %gather3A_851 = tpu.vector_load_idx %arg6[%broadcast_in_dim3A_843, %sub3A_849] : memref<33x33xi32, #tpu.memory_space<vmem>>[vector<16xi32>, vector<16xi32>], vector<16xi32>,
      %mul3A_852 = arith.muli %gather3A_850, %get3A_835 : vector<16xi32>
      %add3A_853 = arith.addi %add3A_827, %mul3A_852 : vector<16xi32>
      %mul3A_854 = arith.muli %gather3A_851, %get3A_841 : vector<16xi32>
      %add3A_855 = arith.addi %add3A_829, %mul3A_854 : vector<16xi32>
      %add3A_856 = arith.addi %add3A_830, %get3A_835 : vector<16xi32>
      %add3A_857 = arith.addi %add3A_831, %get3A_841 : vector<16xi32>
      %swap3A = arith.index_cast %mul3A_21 : i32 to index
      %swap3A_858 = tpu.vector_load %arg7[%swap3A] {strides = array<i32>} : memref<1024xi32, #tpu.memory_space<vmem>>, vector<16xi32>,
      tpu.vector_store %arg7[%swap3A], %add3A_853 {strides = array<i32>} : memref<1024xi32, #tpu.memory_space<vmem>>, vector<16xi32>,
      %add3A_859 = arith.constant 16 : i32
      %add3A_860 = arith.addi %mul3A_21, %add3A_859 : i32
      %swap3A_861 = arith.index_cast %add3A_860 : i32 to index
      %swap3A_862 = tpu.vector_load %arg7[%swap3A_861] {strides = array<i32>} : memref<1024xi32, #tpu.memory_space<vmem>>, vector<16xi32>,
      tpu.vector_store %arg7[%swap3A_861], %add3A_855 {strides = array<i32>} : memref<1024xi32, #tpu.memory_space<vmem>>, vector<16xi32>,
    }
    %while3A_18 = arith.constant 1 : i32
    scf.for %while3A_19 = %while3A_16 to %while3A_12 step %while3A_18  : i32 {
      %mul3A_20 = arith.constant 32 : i32
      %mul3A_21 = arith.muli %while3A_19, %mul3A_20 : i32
      %broadcast_in_dim3A = arith.constant 0 : i32
      %broadcast_in_dim3A_22 = vector.broadcast %broadcast_in_dim3A : i32 to vector<16xi32>
      %broadcast_in_dim3A_23 = arith.constant 0 : i32
      %broadcast_in_dim3A_24 = vector.broadcast %broadcast_in_dim3A_23 : i32 to vector<16xi32>
      %broadcast_in_dim3A_25 = arith.constant 0 : i32
      %broadcast_in_dim3A_26 = vector.broadcast %broadcast_in_dim3A_25 : i32 to vector<16xi32>
      %broadcast_in_dim3A_27 = arith.constant 0 : i32
      %broadcast_in_dim3A_28 = vector.broadcast %broadcast_in_dim3A_27 : i32 to vector<16xi32>
      %get3A = arith.constant 0 : i64
      %get3A_29 = arith.index_cast %get3A : i64 to index
      %get3A_30 = arith.index_cast %mul3A_21 : i32 to index
      %get3A_31 = tpu.vector_load %arg5[%get3A_29, %get3A_30] {strides = array<i32>} : memref<32x1024xi32, #tpu.memory_space<vmem>>, vector<16xi32>,
      %add3A_32 = arith.constant 16 : i32
      %add3A_33 = arith.addi %mul3A_21, %add3A_32 : i32
      %get3A_34 = arith.constant 0 : i64
      %get3A_35 = arith.index_cast %get3A_34 : i64 to index
      %get3A_36 = arith.index_cast %add3A_33 : i32 to index
      %get3A_37 = tpu.vector_load %arg5[%get3A_35, %get3A_36] {strides = array<i32>} : memref<32x1024xi32, #tpu.memory_space<vmem>>, vector<16xi32>,
      %broadcast_in_dim3A_38 = arith.constant 31 : i32
      %broadcast_in_dim3A_39 = vector.broadcast %broadcast_in_dim3A_38 : i32 to vector<16xi32>
      %broadcast_in_dim3A_40 = arith.constant 32 : i32
      %broadcast_in_dim3A_41 = vector.broadcast %broadcast_in_dim3A_40 : i32 to vector<16xi32>
      %sub3A = arith.subi %broadcast_in_dim3A_41, %broadcast_in_dim3A_22 : vector<16xi32>
      %broadcast_in_dim3A_42 = arith.constant 32 : i32
      %broadcast_in_dim3A_43 = vector.broadcast %broadcast_in_dim3A_42 : i32 to vector<16xi32>
      %sub3A_44 = arith.subi %broadcast_in_dim3A_43, %broadcast_in_dim3A_24 : vector<16xi32>
      %gather3A = tpu.vector_load_idx %arg6[%broadcast_in_dim3A_39, %sub3A] : memref<33x33xi32, #tpu.memory_space<vmem>>[vector<16xi32>, vector<16xi32>], vector<16xi32>,
      %gather3A_45 = tpu.vector_load_idx %arg6[%broadcast_in_dim3A_39, %sub3A_44] : memref<33x33xi32, #tpu.memory_space<vmem>>[vector<16xi32>, vector<16xi32>], vector<16xi32>,
      %mul3A_46 = arith.muli %gather3A, %get3A_31 : vector<16xi32>
      %add3A_47 = arith.addi %broadcast_in_dim3A_26, %mul3A_46 : vector<16xi32>
      %mul3A_48 = arith.muli %gather3A_45, %get3A_37 : vector<16xi32>
      %add3A_49 = arith.addi %broadcast_in_dim3A_28, %mul3A_48 : vector<16xi32>
      %add3A_50 = arith.addi %broadcast_in_dim3A_22, %get3A_31 : vector<16xi32>
      %add3A_51 = arith.addi %broadcast_in_dim3A_24, %get3A_37 : vector<16xi32>
      %get3A_52 = arith.constant 1 : i64
      %get3A_53 = arith.index_cast %get3A_52 : i64 to index
      %get3A_54 = arith.index_cast %mul3A_21 : i32 to index
      %get3A_55 = tpu.vector_load %arg5[%get3A_53, %get3A_54] {strides = array<i32>} : memref<32x1024xi32, #tpu.memory_space<vmem>>, vector<16xi32>,
      %add3A_56 = arith.constant 16 : i32
      %add3A_57 = arith.addi %mul3A_21, %add3A_56 : i32
      %get3A_58 = arith.constant 1 : i64
      %get3A_59 = arith.index_cast %get3A_58 : i64 to index
      %get3A_60 = arith.index_cast %add3A_57 : i32 to index
      %get3A_61 = tpu.vector_load %arg5[%get3A_59, %get3A_60] {strides = array<i32>} : memref<32x1024xi32, #tpu.memory_space<vmem>>, vector<16xi32>,
      %broadcast_in_dim3A_62 = arith.constant 30 : i32
      %broadcast_in_dim3A_63 = vector.broadcast %broadcast_in_dim3A_62 : i32 to vector<16xi32>
      %broadcast_in_dim3A_64 = arith.constant 32 : i32
      %broadcast_in_dim3A_65 = vector.broadcast %broadcast_in_dim3A_64 : i32 to vector<16xi32>
      %sub3A_66 = arith.subi %broadcast_in_dim3A_65, %add3A_50 : vector<16xi32>
      %broadcast_in_dim3A_67 = arith.constant 32 : i32
      %broadcast_in_dim3A_68 = vector.broadcast %broadcast_in_dim3A_67 : i32 to vector<16xi32>
      %sub3A_69 = arith.subi %broadcast_in_dim3A_68, %add3A_51 : vector<16xi32>
      %gather3A_70 = tpu.vector_load_idx %arg6[%broadcast_in_dim3A_63, %sub3A_66] : memref<33x33xi32, #tpu.memory_space<vmem>>[vector<16xi32>, vector<16xi32>], vector<16xi32>,
      %gather3A_71 = tpu.vector_load_idx %arg6[%broadcast_in_dim3A_63, %sub3A_69] : memref<33x33xi32, #tpu.memory_space<vmem>>[vector<16xi32>, vector<16xi32>], vector<16xi32>,
      %mul3A_72 = arith.muli %gather3A_70, %get3A_55 : vector<16xi32>
      %add3A_73 = arith.addi %add3A_47, %mul3A_72 : vector<16xi32>
      %mul3A_74 = arith.muli %gather3A_71, %get3A_61 : vector<16xi32>
      %add3A_75 = arith.addi %add3A_49, %mul3A_74 : vector<16xi32>
      %add3A_76 = arith.addi %add3A_50, %get3A_55 : vector<16xi32>
      %add3A_77 = arith.addi %add3A_51, %get3A_61 : vector<16xi32>
      %get3A_78 = arith.constant 2 : i64
      %get3A_79 = arith.index_cast %get3A_78 : i64 to index
      %get3A_80 = arith.index_cast %mul3A_21 : i32 to index
      %get3A_81 = tpu.vector_load %arg5[%get3A_79, %get3A_80] {strides = array<i32>} : memref<32x1024xi32, #tpu.memory_space<vmem>>, vector<16xi32>,
      %add3A_82 = arith.constant 16 : i32
      %add3A_83 = arith.addi %mul3A_21, %add3A_82 : i32
      %get3A_84 = arith.constant 2 : i64
      %get3A_85 = arith.index_cast %get3A_84 : i64 to index
      %get3A_86 = arith.index_cast %add3A_83 : i32 to index
      %get3A_87 = tpu.vector_load %arg5[%get3A_85, %get3A_86] {strides = array<i32>} : memref<32x1024xi32, #tpu.memory_space<vmem>>, vector<16xi32>,
      %broadcast_in_dim3A_88 = arith.constant 29 : i32
      %broadcast_in_dim3A_89 = vector.broadcast %broadcast_in_dim3A_88 : i32 to vector<16xi32>
      %broadcast_in_dim3A_90 = arith.constant 32 : i32
      %broadcast_in_dim3A_91 = vector.broadcast %broadcast_in_dim3A_90 : i32 to vector<16xi32>
      %sub3A_92 = arith.subi %broadcast_in_dim3A_91, %add3A_76 : vector<16xi32>
      %broadcast_in_dim3A_93 = arith.constant 32 : i32
      %broadcast_in_dim3A_94 = vector.broadcast %broadcast_in_dim3A_93 : i32 to vector<16xi32>
      %sub3A_95 = arith.subi %broadcast_in_dim3A_94, %add3A_77 : vector<16xi32>
      %gather3A_96 = tpu.vector_load_idx %arg6[%broadcast_in_dim3A_89, %sub3A_92] : memref<33x33xi32, #tpu.memory_space<vmem>>[vector<16xi32>, vector<16xi32>], vector<16xi32>,
      %gather3A_97 = tpu.vector_load_idx %arg6[%broadcast_in_dim3A_89, %sub3A_95] : memref<33x33xi32, #tpu.memory_space<vmem>>[vector<16xi32>, vector<16xi32>], vector<16xi32>,
      %mul3A_98 = arith.muli %gather3A_96, %get3A_81 : vector<16xi32>
      %add3A_99 = arith.addi %add3A_73, %mul3A_98 : vector<16xi32>
      %mul3A_100 = arith.muli %gather3A_97, %get3A_87 : vector<16xi32>
      %add3A_101 = arith.addi %add3A_75, %mul3A_100 : vector<16xi32>
      %add3A_102 = arith.addi %add3A_76, %get3A_81 : vector<16xi32>
      %add3A_103 = arith.addi %add3A_77, %get3A_87 : vector<16xi32>
      %get3A_104 = arith.constant 3 : i64
      %get3A_105 = arith.index_cast %get3A_104 : i64 to index
      %get3A_106 = arith.index_cast %mul3A_21 : i32 to index
      %get3A_107 = tpu.vector_load %arg5[%get3A_105, %get3A_106] {strides = array<i32>} : memref<32x1024xi32, #tpu.memory_space<vmem>>, vector<16xi32>,
      %add3A_108 = arith.constant 16 : i32
      %add3A_109 = arith.addi %mul3A_21, %add3A_108 : i32
      %get3A_110 = arith.constant 3 : i64
      %get3A_111 = arith.index_cast %get3A_110 : i64 to index
      %get3A_112 = arith.index_cast %add3A_109 : i32 to index
      %get3A_113 = tpu.vector_load %arg5[%get3A_111, %get3A_112] {strides = array<i32>} : memref<32x1024xi32, #tpu.memory_space<vmem>>, vector<16xi32>,
      %broadcast_in_dim3A_114 = arith.constant 28 : i32
      %broadcast_in_dim3A_115 = vector.broadcast %broadcast_in_dim3A_114 : i32 to vector<16xi32>
      %broadcast_in_dim3A_116 = arith.constant 32 : i32
      %broadcast_in_dim3A_117 = vector.broadcast %broadcast_in_dim3A_116 : i32 to vector<16xi32>
      %sub3A_118 = arith.subi %broadcast_in_dim3A_117, %add3A_102 : vector<16xi32>
      %broadcast_in_dim3A_119 = arith.constant 32 : i32
      %broadcast_in_dim3A_120 = vector.broadcast %broadcast_in_dim3A_119 : i32 to vector<16xi32>
      %sub3A_121 = arith.subi %broadcast_in_dim3A_120, %add3A_103 : vector<16xi32>
      %gather3A_122 = tpu.vector_load_idx %arg6[%broadcast_in_dim3A_115, %sub3A_118] : memref<33x33xi32, #tpu.memory_space<vmem>>[vector<16xi32>, vector<16xi32>], vector<16xi32>,
      %gather3A_123 = tpu.vector_load_idx %arg6[%broadcast_in_dim3A_115, %sub3A_121] : memref<33x33xi32, #tpu.memory_space<vmem>>[vector<16xi32>, vector<16xi32>], vector<16xi32>,
      %mul3A_124 = arith.muli %gather3A_122, %get3A_107 : vector<16xi32>
      %add3A_125 = arith.addi %add3A_99, %mul3A_124 : vector<16xi32>
      %mul3A_126 = arith.muli %gather3A_123, %get3A_113 : vector<16xi32>
      %add3A_127 = arith.addi %add3A_101, %mul3A_126 : vector<16xi32>
      %add3A_128 = arith.addi %add3A_102, %get3A_107 : vector<16xi32>
      %add3A_129 = arith.addi %add3A_103, %get3A_113 : vector<16xi32>
      %get3A_130 = arith.constant 4 : i64
      %get3A_131 = arith.index_cast %get3A_130 : i64 to index
      %get3A_132 = arith.index_cast %mul3A_21 : i32 to index
      %get3A_133 = tpu.vector_load %arg5[%get3A_131, %get3A_132] {strides = array<i32>} : memref<32x1024xi32, #tpu.memory_space<vmem>>, vector<16xi32>,
      %add3A_134 = arith.constant 16 : i32
      %add3A_135 = arith.addi %mul3A_21, %add3A_134 : i32
      %get3A_136 = arith.constant 4 : i64
      %get3A_137 = arith.index_cast %get3A_136 : i64 to index
      %get3A_138 = arith.index_cast %add3A_135 : i32 to index
      %get3A_139 = tpu.vector_load %arg5[%get3A_137, %get3A_138] {strides = array<i32>} : memref<32x1024xi32, #tpu.memory_space<vmem>>, vector<16xi32>,
      %broadcast_in_dim3A_140 = arith.constant 27 : i32
      %broadcast_in_dim3A_141 = vector.broadcast %broadcast_in_dim3A_140 : i32 to vector<16xi32>
      %broadcast_in_dim3A_142 = arith.constant 32 : i32
      %broadcast_in_dim3A_143 = vector.broadcast %broadcast_in_dim3A_142 : i32 to vector<16xi32>
      %sub3A_144 = arith.subi %broadcast_in_dim3A_143, %add3A_128 : vector<16xi32>
      %broadcast_in_dim3A_145 = arith.constant 32 : i32
      %broadcast_in_dim3A_146 = vector.broadcast %broadcast_in_dim3A_145 : i32 to vector<16xi32>
      %sub3A_147 = arith.subi %broadcast_in_dim3A_146, %add3A_129 : vector<16xi32>
      %gather3A_148 = tpu.vector_load_idx %arg6[%broadcast_in_dim3A_141, %sub3A_144] : memref<33x33xi32, #tpu.memory_space<vmem>>[vector<16xi32>, vector<16xi32>], vector<16xi32>,
      %gather3A_149 = tpu.vector_load_idx %arg6[%broadcast_in_dim3A_141, %sub3A_147] : memref<33x33xi32, #tpu.memory_space<vmem>>[vector<16xi32>, vector<16xi32>], vector<16xi32>,
      %mul3A_150 = arith.muli %gather3A_148, %get3A_133 : vector<16xi32>
      %add3A_151 = arith.addi %add3A_125, %mul3A_150 : vector<16xi32>
      %mul3A_152 = arith.muli %gather3A_149, %get3A_139 : vector<16xi32>
      %add3A_153 = arith.addi %add3A_127, %mul3A_152 : vector<16xi32>
      %add3A_154 = arith.addi %add3A_128, %get3A_133 : vector<16xi32>
      %add3A_155 = arith.addi %add3A_129, %get3A_139 : vector<16xi32>
      %get3A_156 = arith.constant 5 : i64
      %get3A_157 = arith.index_cast %get3A_156 : i64 to index
      %get3A_158 = arith.index_cast %mul3A_21 : i32 to index
      %get3A_159 = tpu.vector_load %arg5[%get3A_157, %get3A_158] {strides = array<i32>} : memref<32x1024xi32, #tpu.memory_space<vmem>>, vector<16xi32>,
      %add3A_160 = arith.constant 16 : i32
      %add3A_161 = arith.addi %mul3A_21, %add3A_160 : i32
      %get3A_162 = arith.constant 5 : i64
      %get3A_163 = arith.index_cast %get3A_162 : i64 to index
      %get3A_164 = arith.index_cast %add3A_161 : i32 to index
      %get3A_165 = tpu.vector_load %arg5[%get3A_163, %get3A_164] {strides = array<i32>} : memref<32x1024xi32, #tpu.memory_space<vmem>>, vector<16xi32>,
      %broadcast_in_dim3A_166 = arith.constant 26 : i32
      %broadcast_in_dim3A_167 = vector.broadcast %broadcast_in_dim3A_166 : i32 to vector<16xi32>
      %broadcast_in_dim3A_168 = arith.constant 32 : i32
      %broadcast_in_dim3A_169 = vector.broadcast %broadcast_in_dim3A_168 : i32 to vector<16xi32>
      %sub3A_170 = arith.subi %broadcast_in_dim3A_169, %add3A_154 : vector<16xi32>
      %broadcast_in_dim3A_171 = arith.constant 32 : i32
      %broadcast_in_dim3A_172 = vector.broadcast %broadcast_in_dim3A_171 : i32 to vector<16xi32>
      %sub3A_173 = arith.subi %broadcast_in_dim3A_172, %add3A_155 : vector<16xi32>
      %gather3A_174 = tpu.vector_load_idx %arg6[%broadcast_in_dim3A_167, %sub3A_170] : memref<33x33xi32, #tpu.memory_space<vmem>>[vector<16xi32>, vector<16xi32>], vector<16xi32>,
      %gather3A_175 = tpu.vector_load_idx %arg6[%broadcast_in_dim3A_167, %sub3A_173] : memref<33x33xi32, #tpu.memory_space<vmem>>[vector<16xi32>, vector<16xi32>], vector<16xi32>,
      %mul3A_176 = arith.muli %gather3A_174, %get3A_159 : vector<16xi32>
      %add3A_177 = arith.addi %add3A_151, %mul3A_176 : vector<16xi32>
      %mul3A_178 = arith.muli %gather3A_175, %get3A_165 : vector<16xi32>
      %add3A_179 = arith.addi %add3A_153, %mul3A_178 : vector<16xi32>
      %add3A_180 = arith.addi %add3A_154, %get3A_159 : vector<16xi32>
      %add3A_181 = arith.addi %add3A_155, %get3A_165 : vector<16xi32>
      %get3A_182 = arith.constant 6 : i64
      %get3A_183 = arith.index_cast %get3A_182 : i64 to index
      %get3A_184 = arith.index_cast %mul3A_21 : i32 to index
      %get3A_185 = tpu.vector_load %arg5[%get3A_183, %get3A_184] {strides = array<i32>} : memref<32x1024xi32, #tpu.memory_space<vmem>>, vector<16xi32>,
      %add3A_186 = arith.constant 16 : i32
      %add3A_187 = arith.addi %mul3A_21, %add3A_186 : i32
      %get3A_188 = arith.constant 6 : i64
      %get3A_189 = arith.index_cast %get3A_188 : i64 to index
      %get3A_190 = arith.index_cast %add3A_187 : i32 to index
      %get3A_191 = tpu.vector_load %arg5[%get3A_189, %get3A_190] {strides = array<i32>} : memref<32x1024xi32, #tpu.memory_space<vmem>>, vector<16xi32>,
      %broadcast_in_dim3A_192 = arith.constant 25 : i32
      %broadcast_in_dim3A_193 = vector.broadcast %broadcast_in_dim3A_192 : i32 to vector<16xi32>
      %broadcast_in_dim3A_194 = arith.constant 32 : i32
      %broadcast_in_dim3A_195 = vector.broadcast %broadcast_in_dim3A_194 : i32 to vector<16xi32>
      %sub3A_196 = arith.subi %broadcast_in_dim3A_195, %add3A_180 : vector<16xi32>
      %broadcast_in_dim3A_197 = arith.constant 32 : i32
      %broadcast_in_dim3A_198 = vector.broadcast %broadcast_in_dim3A_197 : i32 to vector<16xi32>
      %sub3A_199 = arith.subi %broadcast_in_dim3A_198, %add3A_181 : vector<16xi32>
      %gather3A_200 = tpu.vector_load_idx %arg6[%broadcast_in_dim3A_193, %sub3A_196] : memref<33x33xi32, #tpu.memory_space<vmem>>[vector<16xi32>, vector<16xi32>], vector<16xi32>,
      %gather3A_201 = tpu.vector_load_idx %arg6[%broadcast_in_dim3A_193, %sub3A_199] : memref<33x33xi32, #tpu.memory_space<vmem>>[vector<16xi32>, vector<16xi32>], vector<16xi32>,
      %mul3A_202 = arith.muli %gather3A_200, %get3A_185 : vector<16xi32>
      %add3A_203 = arith.addi %add3A_177, %mul3A_202 : vector<16xi32>
      %mul3A_204 = arith.muli %gather3A_201, %get3A_191 : vector<16xi32>
      %add3A_205 = arith.addi %add3A_179, %mul3A_204 : vector<16xi32>
      %add3A_206 = arith.addi %add3A_180, %get3A_185 : vector<16xi32>
      %add3A_207 = arith.addi %add3A_181, %get3A_191 : vector<16xi32>
      %get3A_208 = arith.constant 7 : i64
      %get3A_209 = arith.index_cast %get3A_208 : i64 to index
      %get3A_210 = arith.index_cast %mul3A_21 : i32 to index
      %get3A_211 = tpu.vector_load %arg5[%get3A_209, %get3A_210] {strides = array<i32>} : memref<32x1024xi32, #tpu.memory_space<vmem>>, vector<16xi32>,
      %add3A_212 = arith.constant 16 : i32
      %add3A_213 = arith.addi %mul3A_21, %add3A_212 : i32
      %get3A_214 = arith.constant 7 : i64
      %get3A_215 = arith.index_cast %get3A_214 : i64 to index
      %get3A_216 = arith.index_cast %add3A_213 : i32 to index
      %get3A_217 = tpu.vector_load %arg5[%get3A_215, %get3A_216] {strides = array<i32>} : memref<32x1024xi32, #tpu.memory_space<vmem>>, vector<16xi32>,
      %broadcast_in_dim3A_218 = arith.constant 24 : i32
      %broadcast_in_dim3A_219 = vector.broadcast %broadcast_in_dim3A_218 : i32 to vector<16xi32>
      %broadcast_in_dim3A_220 = arith.constant 32 : i32
      %broadcast_in_dim3A_221 = vector.broadcast %broadcast_in_dim3A_220 : i32 to vector<16xi32>
      %sub3A_222 = arith.subi %broadcast_in_dim3A_221, %add3A_206 : vector<16xi32>
      %broadcast_in_dim3A_223 = arith.constant 32 : i32
      %broadcast_in_dim3A_224 = vector.broadcast %broadcast_in_dim3A_223 : i32 to vector<16xi32>
      %sub3A_225 = arith.subi %broadcast_in_dim3A_224, %add3A_207 : vector<16xi32>
      %gather3A_226 = tpu.vector_load_idx %arg6[%broadcast_in_dim3A_219, %sub3A_222] : memref<33x33xi32, #tpu.memory_space<vmem>>[vector<16xi32>, vector<16xi32>], vector<16xi32>,
      %gather3A_227 = tpu.vector_load_idx %arg6[%broadcast_in_dim3A_219, %sub3A_225] : memref<33x33xi32, #tpu.memory_space<vmem>>[vector<16xi32>, vector<16xi32>], vector<16xi32>,
      %mul3A_228 = arith.muli %gather3A_226, %get3A_211 : vector<16xi32>
      %add3A_229 = arith.addi %add3A_203, %mul3A_228 : vector<16xi32>
      %mul3A_230 = arith.muli %gather3A_227, %get3A_217 : vector<16xi32>
      %add3A_231 = arith.addi %add3A_205, %mul3A_230 : vector<16xi32>
      %add3A_232 = arith.addi %add3A_206, %get3A_211 : vector<16xi32>
      %add3A_233 = arith.addi %add3A_207, %get3A_217 : vector<16xi32>
      %get3A_234 = arith.constant 8 : i64
      %get3A_235 = arith.index_cast %get3A_234 : i64 to index
      %get3A_236 = arith.index_cast %mul3A_21 : i32 to index
      %get3A_237 = tpu.vector_load %arg5[%get3A_235, %get3A_236] {strides = array<i32>} : memref<32x1024xi32, #tpu.memory_space<vmem>>, vector<16xi32>,
      %add3A_238 = arith.constant 16 : i32
      %add3A_239 = arith.addi %mul3A_21, %add3A_238 : i32
      %get3A_240 = arith.constant 8 : i64
      %get3A_241 = arith.index_cast %get3A_240 : i64 to index
      %get3A_242 = arith.index_cast %add3A_239 : i32 to index
      %get3A_243 = tpu.vector_load %arg5[%get3A_241, %get3A_242] {strides = array<i32>} : memref<32x1024xi32, #tpu.memory_space<vmem>>, vector<16xi32>,
      %broadcast_in_dim3A_244 = arith.constant 23 : i32
      %broadcast_in_dim3A_245 = vector.broadcast %broadcast_in_dim3A_244 : i32 to vector<16xi32>
      %broadcast_in_dim3A_246 = arith.constant 32 : i32
      %broadcast_in_dim3A_247 = vector.broadcast %broadcast_in_dim3A_246 : i32 to vector<16xi32>
      %sub3A_248 = arith.subi %broadcast_in_dim3A_247, %add3A_232 : vector<16xi32>
      %broadcast_in_dim3A_249 = arith.constant 32 : i32
      %broadcast_in_dim3A_250 = vector.broadcast %broadcast_in_dim3A_249 : i32 to vector<16xi32>
      %sub3A_251 = arith.subi %broadcast_in_dim3A_250, %add3A_233 : vector<16xi32>
      %gather3A_252 = tpu.vector_load_idx %arg6[%broadcast_in_dim3A_245, %sub3A_248] : memref<33x33xi32, #tpu.memory_space<vmem>>[vector<16xi32>, vector<16xi32>], vector<16xi32>,
      %gather3A_253 = tpu.vector_load_idx %arg6[%broadcast_in_dim3A_245, %sub3A_251] : memref<33x33xi32, #tpu.memory_space<vmem>>[vector<16xi32>, vector<16xi32>], vector<16xi32>,
      %mul3A_254 = arith.muli %gather3A_252, %get3A_237 : vector<16xi32>
      %add3A_255 = arith.addi %add3A_229, %mul3A_254 : vector<16xi32>
      %mul3A_256 = arith.muli %gather3A_253, %get3A_243 : vector<16xi32>
      %add3A_257 = arith.addi %add3A_231, %mul3A_256 : vector<16xi32>
      %add3A_258 = arith.addi %add3A_232, %get3A_237 : vector<16xi32>
      %add3A_259 = arith.addi %add3A_233, %get3A_243 : vector<16xi32>
      %get3A_260 = arith.constant 9 : i64
      %get3A_261 = arith.index_cast %get3A_260 : i64 to index
      %get3A_262 = arith.index_cast %mul3A_21 : i32 to index
      %get3A_263 = tpu.vector_load %arg5[%get3A_261, %get3A_262] {strides = array<i32>} : memref<32x1024xi32, #tpu.memory_space<vmem>>, vector<16xi32>,
      %add3A_264 = arith.constant 16 : i32
      %add3A_265 = arith.addi %mul3A_21, %add3A_264 : i32
      %get3A_266 = arith.constant 9 : i64
      %get3A_267 = arith.index_cast %get3A_266 : i64 to index
      %get3A_268 = arith.index_cast %add3A_265 : i32 to index
      %get3A_269 = tpu.vector_load %arg5[%get3A_267, %get3A_268] {strides = array<i32>} : memref<32x1024xi32, #tpu.memory_space<vmem>>, vector<16xi32>,
      %broadcast_in_dim3A_270 = arith.constant 22 : i32
      %broadcast_in_dim3A_271 = vector.broadcast %broadcast_in_dim3A_270 : i32 to vector<16xi32>
      %broadcast_in_dim3A_272 = arith.constant 32 : i32
      %broadcast_in_dim3A_273 = vector.broadcast %broadcast_in_dim3A_272 : i32 to vector<16xi32>
      %sub3A_274 = arith.subi %broadcast_in_dim3A_273, %add3A_258 : vector<16xi32>
      %broadcast_in_dim3A_275 = arith.constant 32 : i32
      %broadcast_in_dim3A_276 = vector.broadcast %broadcast_in_dim3A_275 : i32 to vector<16xi32>
      %sub3A_277 = arith.subi %broadcast_in_dim3A_276, %add3A_259 : vector<16xi32>
      %gather3A_278 = tpu.vector_load_idx %arg6[%broadcast_in_dim3A_271, %sub3A_274] : memref<33x33xi32, #tpu.memory_space<vmem>>[vector<16xi32>, vector<16xi32>], vector<16xi32>,
      %gather3A_279 = tpu.vector_load_idx %arg6[%broadcast_in_dim3A_271, %sub3A_277] : memref<33x33xi32, #tpu.memory_space<vmem>>[vector<16xi32>, vector<16xi32>], vector<16xi32>,
      %mul3A_280 = arith.muli %gather3A_278, %get3A_263 : vector<16xi32>
      %add3A_281 = arith.addi %add3A_255, %mul3A_280 : vector<16xi32>
      %mul3A_282 = arith.muli %gather3A_279, %get3A_269 : vector<16xi32>
      %add3A_283 = arith.addi %add3A_257, %mul3A_282 : vector<16xi32>
      %add3A_284 = arith.addi %add3A_258, %get3A_263 : vector<16xi32>
      %add3A_285 = arith.addi %add3A_259, %get3A_269 : vector<16xi32>
      %get3A_286 = arith.constant 10 : i64
      %get3A_287 = arith.index_cast %get3A_286 : i64 to index
      %get3A_288 = arith.index_cast %mul3A_21 : i32 to index
      %get3A_289 = tpu.vector_load %arg5[%get3A_287, %get3A_288] {strides = array<i32>} : memref<32x1024xi32, #tpu.memory_space<vmem>>, vector<16xi32>,
      %add3A_290 = arith.constant 16 : i32
      %add3A_291 = arith.addi %mul3A_21, %add3A_290 : i32
      %get3A_292 = arith.constant 10 : i64
      %get3A_293 = arith.index_cast %get3A_292 : i64 to index
      %get3A_294 = arith.index_cast %add3A_291 : i32 to index
      %get3A_295 = tpu.vector_load %arg5[%get3A_293, %get3A_294] {strides = array<i32>} : memref<32x1024xi32, #tpu.memory_space<vmem>>, vector<16xi32>,
      %broadcast_in_dim3A_296 = arith.constant 21 : i32
      %broadcast_in_dim3A_297 = vector.broadcast %broadcast_in_dim3A_296 : i32 to vector<16xi32>
      %broadcast_in_dim3A_298 = arith.constant 32 : i32
      %broadcast_in_dim3A_299 = vector.broadcast %broadcast_in_dim3A_298 : i32 to vector<16xi32>
      %sub3A_300 = arith.subi %broadcast_in_dim3A_299, %add3A_284 : vector<16xi32>
      %broadcast_in_dim3A_301 = arith.constant 32 : i32
      %broadcast_in_dim3A_302 = vector.broadcast %broadcast_in_dim3A_301 : i32 to vector<16xi32>
      %sub3A_303 = arith.subi %broadcast_in_dim3A_302, %add3A_285 : vector<16xi32>
      %gather3A_304 = tpu.vector_load_idx %arg6[%broadcast_in_dim3A_297, %sub3A_300] : memref<33x33xi32, #tpu.memory_space<vmem>>[vector<16xi32>, vector<16xi32>], vector<16xi32>,
      %gather3A_305 = tpu.vector_load_idx %arg6[%broadcast_in_dim3A_297, %sub3A_303] : memref<33x33xi32, #tpu.memory_space<vmem>>[vector<16xi32>, vector<16xi32>], vector<16xi32>,
      %mul3A_306 = arith.muli %gather3A_304, %get3A_289 : vector<16xi32>
      %add3A_307 = arith.addi %add3A_281, %mul3A_306 : vector<16xi32>
      %mul3A_308 = arith.muli %gather3A_305, %get3A_295 : vector<16xi32>
      %add3A_309 = arith.addi %add3A_283, %mul3A_308 : vector<16xi32>
      %add3A_310 = arith.addi %add3A_284, %get3A_289 : vector<16xi32>
      %add3A_311 = arith.addi %add3A_285, %get3A_295 : vector<16xi32>
      %get3A_312 = arith.constant 11 : i64
      %get3A_313 = arith.index_cast %get3A_312 : i64 to index
      %get3A_314 = arith.index_cast %mul3A_21 : i32 to index
      %get3A_315 = tpu.vector_load %arg5[%get3A_313, %get3A_314] {strides = array<i32>} : memref<32x1024xi32, #tpu.memory_space<vmem>>, vector<16xi32>,
      %add3A_316 = arith.constant 16 : i32
      %add3A_317 = arith.addi %mul3A_21, %add3A_316 : i32
      %get3A_318 = arith.constant 11 : i64
      %get3A_319 = arith.index_cast %get3A_318 : i64 to index
      %get3A_320 = arith.index_cast %add3A_317 : i32 to index
      %get3A_321 = tpu.vector_load %arg5[%get3A_319, %get3A_320] {strides = array<i32>} : memref<32x1024xi32, #tpu.memory_space<vmem>>, vector<16xi32>,
      %broadcast_in_dim3A_322 = arith.constant 20 : i32
      %broadcast_in_dim3A_323 = vector.broadcast %broadcast_in_dim3A_322 : i32 to vector<16xi32>
      %broadcast_in_dim3A_324 = arith.constant 32 : i32
      %broadcast_in_dim3A_325 = vector.broadcast %broadcast_in_dim3A_324 : i32 to vector<16xi32>
      %sub3A_326 = arith.subi %broadcast_in_dim3A_325, %add3A_310 : vector<16xi32>
      %broadcast_in_dim3A_327 = arith.constant 32 : i32
      %broadcast_in_dim3A_328 = vector.broadcast %broadcast_in_dim3A_327 : i32 to vector<16xi32>
      %sub3A_329 = arith.subi %broadcast_in_dim3A_328, %add3A_311 : vector<16xi32>
      %gather3A_330 = tpu.vector_load_idx %arg6[%broadcast_in_dim3A_323, %sub3A_326] : memref<33x33xi32, #tpu.memory_space<vmem>>[vector<16xi32>, vector<16xi32>], vector<16xi32>,
      %gather3A_331 = tpu.vector_load_idx %arg6[%broadcast_in_dim3A_323, %sub3A_329] : memref<33x33xi32, #tpu.memory_space<vmem>>[vector<16xi32>, vector<16xi32>], vector<16xi32>,
      %mul3A_332 = arith.muli %gather3A_330, %get3A_315 : vector<16xi32>
      %add3A_333 = arith.addi %add3A_307, %mul3A_332 : vector<16xi32>
      %mul3A_334 = arith.muli %gather3A_331, %get3A_321 : vector<16xi32>
      %add3A_335 = arith.addi %add3A_309, %mul3A_334 : vector<16xi32>
      %add3A_336 = arith.addi %add3A_310, %get3A_315 : vector<16xi32>
      %add3A_337 = arith.addi %add3A_311, %get3A_321 : vector<16xi32>
      %get3A_338 = arith.constant 12 : i64
      %get3A_339 = arith.index_cast %get3A_338 : i64 to index
      %get3A_340 = arith.index_cast %mul3A_21 : i32 to index
      %get3A_341 = tpu.vector_load %arg5[%get3A_339, %get3A_340] {strides = array<i32>} : memref<32x1024xi32, #tpu.memory_space<vmem>>, vector<16xi32>,
      %add3A_342 = arith.constant 16 : i32
      %add3A_343 = arith.addi %mul3A_21, %add3A_342 : i32
      %get3A_344 = arith.constant 12 : i64
      %get3A_345 = arith.index_cast %get3A_344 : i64 to index
      %get3A_346 = arith.index_cast %add3A_343 : i32 to index
      %get3A_347 = tpu.vector_load %arg5[%get3A_345, %get3A_346] {strides = array<i32>} : memref<32x1024xi32, #tpu.memory_space<vmem>>, vector<16xi32>,
      %broadcast_in_dim3A_348 = arith.constant 19 : i32
      %broadcast_in_dim3A_349 = vector.broadcast %broadcast_in_dim3A_348 : i32 to vector<16xi32>
      %broadcast_in_dim3A_350 = arith.constant 32 : i32
      %broadcast_in_dim3A_351 = vector.broadcast %broadcast_in_dim3A_350 : i32 to vector<16xi32>
      %sub3A_352 = arith.subi %broadcast_in_dim3A_351, %add3A_336 : vector<16xi32>
      %broadcast_in_dim3A_353 = arith.constant 32 : i32
      %broadcast_in_dim3A_354 = vector.broadcast %broadcast_in_dim3A_353 : i32 to vector<16xi32>
      %sub3A_355 = arith.subi %broadcast_in_dim3A_354, %add3A_337 : vector<16xi32>
      %gather3A_356 = tpu.vector_load_idx %arg6[%broadcast_in_dim3A_349, %sub3A_352] : memref<33x33xi32, #tpu.memory_space<vmem>>[vector<16xi32>, vector<16xi32>], vector<16xi32>,
      %gather3A_357 = tpu.vector_load_idx %arg6[%broadcast_in_dim3A_349, %sub3A_355] : memref<33x33xi32, #tpu.memory_space<vmem>>[vector<16xi32>, vector<16xi32>], vector<16xi32>,
      %mul3A_358 = arith.muli %gather3A_356, %get3A_341 : vector<16xi32>
      %add3A_359 = arith.addi %add3A_333, %mul3A_358 : vector<16xi32>
      %mul3A_360 = arith.muli %gather3A_357, %get3A_347 : vector<16xi32>
      %add3A_361 = arith.addi %add3A_335, %mul3A_360 : vector<16xi32>
      %add3A_362 = arith.addi %add3A_336, %get3A_341 : vector<16xi32>
      %add3A_363 = arith.addi %add3A_337, %get3A_347 : vector<16xi32>
      %get3A_364 = arith.constant 13 : i64
      %get3A_365 = arith.index_cast %get3A_364 : i64 to index
      %get3A_366 = arith.index_cast %mul3A_21 : i32 to index
      %get3A_367 = tpu.vector_load %arg5[%get3A_365, %get3A_366] {strides = array<i32>} : memref<32x1024xi32, #tpu.memory_space<vmem>>, vector<16xi32>,
      %add3A_368 = arith.constant 16 : i32
      %add3A_369 = arith.addi %mul3A_21, %add3A_368 : i32
      %get3A_370 = arith.constant 13 : i64
      %get3A_371 = arith.index_cast %get3A_370 : i64 to index
      %get3A_372 = arith.index_cast %add3A_369 : i32 to index
      %get3A_373 = tpu.vector_load %arg5[%get3A_371, %get3A_372] {strides = array<i32>} : memref<32x1024xi32, #tpu.memory_space<vmem>>, vector<16xi32>,
      %broadcast_in_dim3A_374 = arith.constant 18 : i32
      %broadcast_in_dim3A_375 = vector.broadcast %broadcast_in_dim3A_374 : i32 to vector<16xi32>
      %broadcast_in_dim3A_376 = arith.constant 32 : i32
      %broadcast_in_dim3A_377 = vector.broadcast %broadcast_in_dim3A_376 : i32 to vector<16xi32>
      %sub3A_378 = arith.subi %broadcast_in_dim3A_377, %add3A_362 : vector<16xi32>
      %broadcast_in_dim3A_379 = arith.constant 32 : i32
      %broadcast_in_dim3A_380 = vector.broadcast %broadcast_in_dim3A_379 : i32 to vector<16xi32>
      %sub3A_381 = arith.subi %broadcast_in_dim3A_380, %add3A_363 : vector<16xi32>
      %gather3A_382 = tpu.vector_load_idx %arg6[%broadcast_in_dim3A_375, %sub3A_378] : memref<33x33xi32, #tpu.memory_space<vmem>>[vector<16xi32>, vector<16xi32>], vector<16xi32>,
      %gather3A_383 = tpu.vector_load_idx %arg6[%broadcast_in_dim3A_375, %sub3A_381] : memref<33x33xi32, #tpu.memory_space<vmem>>[vector<16xi32>, vector<16xi32>], vector<16xi32>,
      %mul3A_384 = arith.muli %gather3A_382, %get3A_367 : vector<16xi32>
      %add3A_385 = arith.addi %add3A_359, %mul3A_384 : vector<16xi32>
      %mul3A_386 = arith.muli %gather3A_383, %get3A_373 : vector<16xi32>
      %add3A_387 = arith.addi %add3A_361, %mul3A_386 : vector<16xi32>
      %add3A_388 = arith.addi %add3A_362, %get3A_367 : vector<16xi32>
      %add3A_389 = arith.addi %add3A_363, %get3A_373 : vector<16xi32>
      %get3A_390 = arith.constant 14 : i64
      %get3A_391 = arith.index_cast %get3A_390 : i64 to index
      %get3A_392 = arith.index_cast %mul3A_21 : i32 to index
      %get3A_393 = tpu.vector_load %arg5[%get3A_391, %get3A_392] {strides = array<i32>} : memref<32x1024xi32, #tpu.memory_space<vmem>>, vector<16xi32>,
      %add3A_394 = arith.constant 16 : i32
      %add3A_395 = arith.addi %mul3A_21, %add3A_394 : i32
      %get3A_396 = arith.constant 14 : i64
      %get3A_397 = arith.index_cast %get3A_396 : i64 to index
      %get3A_398 = arith.index_cast %add3A_395 : i32 to index
      %get3A_399 = tpu.vector_load %arg5[%get3A_397, %get3A_398] {strides = array<i32>} : memref<32x1024xi32, #tpu.memory_space<vmem>>, vector<16xi32>,
      %broadcast_in_dim3A_400 = arith.constant 17 : i32
      %broadcast_in_dim3A_401 = vector.broadcast %broadcast_in_dim3A_400 : i32 to vector<16xi32>
      %broadcast_in_dim3A_402 = arith.constant 32 : i32
      %broadcast_in_dim3A_403 = vector.broadcast %broadcast_in_dim3A_402 : i32 to vector<16xi32>
      %sub3A_404 = arith.subi %broadcast_in_dim3A_403, %add3A_388 : vector<16xi32>
      %broadcast_in_dim3A_405 = arith.constant 32 : i32
      %broadcast_in_dim3A_406 = vector.broadcast %broadcast_in_dim3A_405 : i32 to vector<16xi32>
      %sub3A_407 = arith.subi %broadcast_in_dim3A_406, %add3A_389 : vector<16xi32>
      %gather3A_408 = tpu.vector_load_idx %arg6[%broadcast_in_dim3A_401, %sub3A_404] : memref<33x33xi32, #tpu.memory_space<vmem>>[vector<16xi32>, vector<16xi32>], vector<16xi32>,
      %gather3A_409 = tpu.vector_load_idx %arg6[%broadcast_in_dim3A_401, %sub3A_407] : memref<33x33xi32, #tpu.memory_space<vmem>>[vector<16xi32>, vector<16xi32>], vector<16xi32>,
      %mul3A_410 = arith.muli %gather3A_408, %get3A_393 : vector<16xi32>
      %add3A_411 = arith.addi %add3A_385, %mul3A_410 : vector<16xi32>
      %mul3A_412 = arith.muli %gather3A_409, %get3A_399 : vector<16xi32>
      %add3A_413 = arith.addi %add3A_387, %mul3A_412 : vector<16xi32>
      %add3A_414 = arith.addi %add3A_388, %get3A_393 : vector<16xi32>
      %add3A_415 = arith.addi %add3A_389, %get3A_399 : vector<16xi32>
      %get3A_416 = arith.constant 15 : i64
      %get3A_417 = arith.index_cast %get3A_416 : i64 to index
      %get3A_418 = arith.index_cast %mul3A_21 : i32 to index
      %get3A_419 = tpu.vector_load %arg5[%get3A_417, %get3A_418] {strides = array<i32>} : memref<32x1024xi32, #tpu.memory_space<vmem>>, vector<16xi32>,
      %add3A_420 = arith.constant 16 : i32
      %add3A_421 = arith.addi %mul3A_21, %add3A_420 : i32
      %get3A_422 = arith.constant 15 : i64
      %get3A_423 = arith.index_cast %get3A_422 : i64 to index
      %get3A_424 = arith.index_cast %add3A_421 : i32 to index
      %get3A_425 = tpu.vector_load %arg5[%get3A_423, %get3A_424] {strides = array<i32>} : memref<32x1024xi32, #tpu.memory_space<vmem>>, vector<16xi32>,
      %broadcast_in_dim3A_426 = arith.constant 16 : i32
      %broadcast_in_dim3A_427 = vector.broadcast %broadcast_in_dim3A_426 : i32 to vector<16xi32>
      %broadcast_in_dim3A_428 = arith.constant 32 : i32
      %broadcast_in_dim3A_429 = vector.broadcast %broadcast_in_dim3A_428 : i32 to vector<16xi32>
      %sub3A_430 = arith.subi %broadcast_in_dim3A_429, %add3A_414 : vector<16xi32>
      %broadcast_in_dim3A_431 = arith.constant 32 : i32
      %broadcast_in_dim3A_432 = vector.broadcast %broadcast_in_dim3A_431 : i32 to vector<16xi32>
      %sub3A_433 = arith.subi %broadcast_in_dim3A_432, %add3A_415 : vector<16xi32>
      %gather3A_434 = tpu.vector_load_idx %arg6[%broadcast_in_dim3A_427, %sub3A_430] : memref<33x33xi32, #tpu.memory_space<vmem>>[vector<16xi32>, vector<16xi32>], vector<16xi32>,
      %gather3A_435 = tpu.vector_load_idx %arg6[%broadcast_in_dim3A_427, %sub3A_433] : memref<33x33xi32, #tpu.memory_space<vmem>>[vector<16xi32>, vector<16xi32>], vector<16xi32>,
      %mul3A_436 = arith.muli %gather3A_434, %get3A_419 : vector<16xi32>
      %add3A_437 = arith.addi %add3A_411, %mul3A_436 : vector<16xi32>
      %mul3A_438 = arith.muli %gather3A_435, %get3A_425 : vector<16xi32>
      %add3A_439 = arith.addi %add3A_413, %mul3A_438 : vector<16xi32>
      %add3A_440 = arith.addi %add3A_414, %get3A_419 : vector<16xi32>
      %add3A_441 = arith.addi %add3A_415, %get3A_425 : vector<16xi32>
      %get3A_442 = arith.constant 16 : i64
      %get3A_443 = arith.index_cast %get3A_442 : i64 to index
      %get3A_444 = arith.index_cast %mul3A_21 : i32 to index
      %get3A_445 = tpu.vector_load %arg5[%get3A_443, %get3A_444] {strides = array<i32>} : memref<32x1024xi32, #tpu.memory_space<vmem>>, vector<16xi32>,
      %add3A_446 = arith.constant 16 : i32
      %add3A_447 = arith.addi %mul3A_21, %add3A_446 : i32
      %get3A_448 = arith.constant 16 : i64
      %get3A_449 = arith.index_cast %get3A_448 : i64 to index
      %get3A_450 = arith.index_cast %add3A_447 : i32 to index
      %get3A_451 = tpu.vector_load %arg5[%get3A_449, %get3A_450] {strides = array<i32>} : memref<32x1024xi32, #tpu.memory_space<vmem>>, vector<16xi32>,
      %broadcast_in_dim3A_452 = arith.constant 15 : i32
      %broadcast_in_dim3A_453 = vector.broadcast %broadcast_in_dim3A_452 : i32 to vector<16xi32>
      %broadcast_in_dim3A_454 = arith.constant 32 : i32
      %broadcast_in_dim3A_455 = vector.broadcast %broadcast_in_dim3A_454 : i32 to vector<16xi32>
      %sub3A_456 = arith.subi %broadcast_in_dim3A_455, %add3A_440 : vector<16xi32>
      %broadcast_in_dim3A_457 = arith.constant 32 : i32
      %broadcast_in_dim3A_458 = vector.broadcast %broadcast_in_dim3A_457 : i32 to vector<16xi32>
      %sub3A_459 = arith.subi %broadcast_in_dim3A_458, %add3A_441 : vector<16xi32>
      %gather3A_460 = tpu.vector_load_idx %arg6[%broadcast_in_dim3A_453, %sub3A_456] : memref<33x33xi32, #tpu.memory_space<vmem>>[vector<16xi32>, vector<16xi32>], vector<16xi32>,
      %gather3A_461 = tpu.vector_load_idx %arg6[%broadcast_in_dim3A_453, %sub3A_459] : memref<33x33xi32, #tpu.memory_space<vmem>>[vector<16xi32>, vector<16xi32>], vector<16xi32>,
      %mul3A_462 = arith.muli %gather3A_460, %get3A_445 : vector<16xi32>
      %add3A_463 = arith.addi %add3A_437, %mul3A_462 : vector<16xi32>
      %mul3A_464 = arith.muli %gather3A_461, %get3A_451 : vector<16xi32>
      %add3A_465 = arith.addi %add3A_439, %mul3A_464 : vector<16xi32>
      %add3A_466 = arith.addi %add3A_440, %get3A_445 : vector<16xi32>
      %add3A_467 = arith.addi %add3A_441, %get3A_451 : vector<16xi32>
      %get3A_468 = arith.constant 17 : i64
      %get3A_469 = arith.index_cast %get3A_468 : i64 to index
      %get3A_470 = arith.index_cast %mul3A_21 : i32 to index
      %get3A_471 = tpu.vector_load %arg5[%get3A_469, %get3A_470] {strides = array<i32>} : memref<32x1024xi32, #tpu.memory_space<vmem>>, vector<16xi32>,
      %add3A_472 = arith.constant 16 : i32
      %add3A_473 = arith.addi %mul3A_21, %add3A_472 : i32
      %get3A_474 = arith.constant 17 : i64
      %get3A_475 = arith.index_cast %get3A_474 : i64 to index
      %get3A_476 = arith.index_cast %add3A_473 : i32 to index
      %get3A_477 = tpu.vector_load %arg5[%get3A_475, %get3A_476] {strides = array<i32>} : memref<32x1024xi32, #tpu.memory_space<vmem>>, vector<16xi32>,
      %broadcast_in_dim3A_478 = arith.constant 14 : i32
      %broadcast_in_dim3A_479 = vector.broadcast %broadcast_in_dim3A_478 : i32 to vector<16xi32>
      %broadcast_in_dim3A_480 = arith.constant 32 : i32
      %broadcast_in_dim3A_481 = vector.broadcast %broadcast_in_dim3A_480 : i32 to vector<16xi32>
      %sub3A_482 = arith.subi %broadcast_in_dim3A_481, %add3A_466 : vector<16xi32>
      %broadcast_in_dim3A_483 = arith.constant 32 : i32
      %broadcast_in_dim3A_484 = vector.broadcast %broadcast_in_dim3A_483 : i32 to vector<16xi32>
      %sub3A_485 = arith.subi %broadcast_in_dim3A_484, %add3A_467 : vector<16xi32>
      %gather3A_486 = tpu.vector_load_idx %arg6[%broadcast_in_dim3A_479, %sub3A_482] : memref<33x33xi32, #tpu.memory_space<vmem>>[vector<16xi32>, vector<16xi32>], vector<16xi32>,
      %gather3A_487 = tpu.vector_load_idx %arg6[%broadcast_in_dim3A_479, %sub3A_485] : memref<33x33xi32, #tpu.memory_space<vmem>>[vector<16xi32>, vector<16xi32>], vector<16xi32>,
      %mul3A_488 = arith.muli %gather3A_486, %get3A_471 : vector<16xi32>
      %add3A_489 = arith.addi %add3A_463, %mul3A_488 : vector<16xi32>
      %mul3A_490 = arith.muli %gather3A_487, %get3A_477 : vector<16xi32>
      %add3A_491 = arith.addi %add3A_465, %mul3A_490 : vector<16xi32>
      %add3A_492 = arith.addi %add3A_466, %get3A_471 : vector<16xi32>
      %add3A_493 = arith.addi %add3A_467, %get3A_477 : vector<16xi32>
      %get3A_494 = arith.constant 18 : i64
      %get3A_495 = arith.index_cast %get3A_494 : i64 to index
      %get3A_496 = arith.index_cast %mul3A_21 : i32 to index
      %get3A_497 = tpu.vector_load %arg5[%get3A_495, %get3A_496] {strides = array<i32>} : memref<32x1024xi32, #tpu.memory_space<vmem>>, vector<16xi32>,
      %add3A_498 = arith.constant 16 : i32
      %add3A_499 = arith.addi %mul3A_21, %add3A_498 : i32
      %get3A_500 = arith.constant 18 : i64
      %get3A_501 = arith.index_cast %get3A_500 : i64 to index
      %get3A_502 = arith.index_cast %add3A_499 : i32 to index
      %get3A_503 = tpu.vector_load %arg5[%get3A_501, %get3A_502] {strides = array<i32>} : memref<32x1024xi32, #tpu.memory_space<vmem>>, vector<16xi32>,
      %broadcast_in_dim3A_504 = arith.constant 13 : i32
      %broadcast_in_dim3A_505 = vector.broadcast %broadcast_in_dim3A_504 : i32 to vector<16xi32>
      %broadcast_in_dim3A_506 = arith.constant 32 : i32
      %broadcast_in_dim3A_507 = vector.broadcast %broadcast_in_dim3A_506 : i32 to vector<16xi32>
      %sub3A_508 = arith.subi %broadcast_in_dim3A_507, %add3A_492 : vector<16xi32>
      %broadcast_in_dim3A_509 = arith.constant 32 : i32
      %broadcast_in_dim3A_510 = vector.broadcast %broadcast_in_dim3A_509 : i32 to vector<16xi32>
      %sub3A_511 = arith.subi %broadcast_in_dim3A_510, %add3A_493 : vector<16xi32>
      %gather3A_512 = tpu.vector_load_idx %arg6[%broadcast_in_dim3A_505, %sub3A_508] : memref<33x33xi32, #tpu.memory_space<vmem>>[vector<16xi32>, vector<16xi32>], vector<16xi32>,
      %gather3A_513 = tpu.vector_load_idx %arg6[%broadcast_in_dim3A_505, %sub3A_511] : memref<33x33xi32, #tpu.memory_space<vmem>>[vector<16xi32>, vector<16xi32>], vector<16xi32>,
      %mul3A_514 = arith.muli %gather3A_512, %get3A_497 : vector<16xi32>
      %add3A_515 = arith.addi %add3A_489, %mul3A_514 : vector<16xi32>
      %mul3A_516 = arith.muli %gather3A_513, %get3A_503 : vector<16xi32>
      %add3A_517 = arith.addi %add3A_491, %mul3A_516 : vector<16xi32>
      %add3A_518 = arith.addi %add3A_492, %get3A_497 : vector<16xi32>
      %add3A_519 = arith.addi %add3A_493, %get3A_503 : vector<16xi32>
      %get3A_520 = arith.constant 19 : i64
      %get3A_521 = arith.index_cast %get3A_520 : i64 to index
      %get3A_522 = arith.index_cast %mul3A_21 : i32 to index
      %get3A_523 = tpu.vector_load %arg5[%get3A_521, %get3A_522] {strides = array<i32>} : memref<32x1024xi32, #tpu.memory_space<vmem>>, vector<16xi32>,
      %add3A_524 = arith.constant 16 : i32
      %add3A_525 = arith.addi %mul3A_21, %add3A_524 : i32
      %get3A_526 = arith.constant 19 : i64
      %get3A_527 = arith.index_cast %get3A_526 : i64 to index
      %get3A_528 = arith.index_cast %add3A_525 : i32 to index
      %get3A_529 = tpu.vector_load %arg5[%get3A_527, %get3A_528] {strides = array<i32>} : memref<32x1024xi32, #tpu.memory_space<vmem>>, vector<16xi32>,
      %broadcast_in_dim3A_530 = arith.constant 12 : i32
      %broadcast_in_dim3A_531 = vector.broadcast %broadcast_in_dim3A_530 : i32 to vector<16xi32>
      %broadcast_in_dim3A_532 = arith.constant 32 : i32
      %broadcast_in_dim3A_533 = vector.broadcast %broadcast_in_dim3A_532 : i32 to vector<16xi32>
      %sub3A_534 = arith.subi %broadcast_in_dim3A_533, %add3A_518 : vector<16xi32>
      %broadcast_in_dim3A_535 = arith.constant 32 : i32
      %broadcast_in_dim3A_536 = vector.broadcast %broadcast_in_dim3A_535 : i32 to vector<16xi32>
      %sub3A_537 = arith.subi %broadcast_in_dim3A_536, %add3A_519 : vector<16xi32>
      %gather3A_538 = tpu.vector_load_idx %arg6[%broadcast_in_dim3A_531, %sub3A_534] : memref<33x33xi32, #tpu.memory_space<vmem>>[vector<16xi32>, vector<16xi32>], vector<16xi32>,
      %gather3A_539 = tpu.vector_load_idx %arg6[%broadcast_in_dim3A_531, %sub3A_537] : memref<33x33xi32, #tpu.memory_space<vmem>>[vector<16xi32>, vector<16xi32>], vector<16xi32>,
      %mul3A_540 = arith.muli %gather3A_538, %get3A_523 : vector<16xi32>
      %add3A_541 = arith.addi %add3A_515, %mul3A_540 : vector<16xi32>
      %mul3A_542 = arith.muli %gather3A_539, %get3A_529 : vector<16xi32>
      %add3A_543 = arith.addi %add3A_517, %mul3A_542 : vector<16xi32>
      %add3A_544 = arith.addi %add3A_518, %get3A_523 : vector<16xi32>
      %add3A_545 = arith.addi %add3A_519, %get3A_529 : vector<16xi32>
      %get3A_546 = arith.constant 20 : i64
      %get3A_547 = arith.index_cast %get3A_546 : i64 to index
      %get3A_548 = arith.index_cast %mul3A_21 : i32 to index
      %get3A_549 = tpu.vector_load %arg5[%get3A_547, %get3A_548] {strides = array<i32>} : memref<32x1024xi32, #tpu.memory_space<vmem>>, vector<16xi32>,
      %add3A_550 = arith.constant 16 : i32
      %add3A_551 = arith.addi %mul3A_21, %add3A_550 : i32
      %get3A_552 = arith.constant 20 : i64
      %get3A_553 = arith.index_cast %get3A_552 : i64 to index
      %get3A_554 = arith.index_cast %add3A_551 : i32 to index
      %get3A_555 = tpu.vector_load %arg5[%get3A_553, %get3A_554] {strides = array<i32>} : memref<32x1024xi32, #tpu.memory_space<vmem>>, vector<16xi32>,
      %broadcast_in_dim3A_556 = arith.constant 11 : i32
      %broadcast_in_dim3A_557 = vector.broadcast %broadcast_in_dim3A_556 : i32 to vector<16xi32>
      %broadcast_in_dim3A_558 = arith.constant 32 : i32
      %broadcast_in_dim3A_559 = vector.broadcast %broadcast_in_dim3A_558 : i32 to vector<16xi32>
      %sub3A_560 = arith.subi %broadcast_in_dim3A_559, %add3A_544 : vector<16xi32>
      %broadcast_in_dim3A_561 = arith.constant 32 : i32
      %broadcast_in_dim3A_562 = vector.broadcast %broadcast_in_dim3A_561 : i32 to vector<16xi32>
      %sub3A_563 = arith.subi %broadcast_in_dim3A_562, %add3A_545 : vector<16xi32>
      %gather3A_564 = tpu.vector_load_idx %arg6[%broadcast_in_dim3A_557, %sub3A_560] : memref<33x33xi32, #tpu.memory_space<vmem>>[vector<16xi32>, vector<16xi32>], vector<16xi32>,
      %gather3A_565 = tpu.vector_load_idx %arg6[%broadcast_in_dim3A_557, %sub3A_563] : memref<33x33xi32, #tpu.memory_space<vmem>>[vector<16xi32>, vector<16xi32>], vector<16xi32>,
      %mul3A_566 = arith.muli %gather3A_564, %get3A_549 : vector<16xi32>
      %add3A_567 = arith.addi %add3A_541, %mul3A_566 : vector<16xi32>
      %mul3A_568 = arith.muli %gather3A_565, %get3A_555 : vector<16xi32>
      %add3A_569 = arith.addi %add3A_543, %mul3A_568 : vector<16xi32>
      %add3A_570 = arith.addi %add3A_544, %get3A_549 : vector<16xi32>
      %add3A_571 = arith.addi %add3A_545, %get3A_555 : vector<16xi32>
      %get3A_572 = arith.constant 21 : i64
      %get3A_573 = arith.index_cast %get3A_572 : i64 to index
      %get3A_574 = arith.index_cast %mul3A_21 : i32 to index
      %get3A_575 = tpu.vector_load %arg5[%get3A_573, %get3A_574] {strides = array<i32>} : memref<32x1024xi32, #tpu.memory_space<vmem>>, vector<16xi32>,
      %add3A_576 = arith.constant 16 : i32
      %add3A_577 = arith.addi %mul3A_21, %add3A_576 : i32
      %get3A_578 = arith.constant 21 : i64
      %get3A_579 = arith.index_cast %get3A_578 : i64 to index
      %get3A_580 = arith.index_cast %add3A_577 : i32 to index
      %get3A_581 = tpu.vector_load %arg5[%get3A_579, %get3A_580] {strides = array<i32>} : memref<32x1024xi32, #tpu.memory_space<vmem>>, vector<16xi32>,
      %broadcast_in_dim3A_582 = arith.constant 10 : i32
      %broadcast_in_dim3A_583 = vector.broadcast %broadcast_in_dim3A_582 : i32 to vector<16xi32>
      %broadcast_in_dim3A_584 = arith.constant 32 : i32
      %broadcast_in_dim3A_585 = vector.broadcast %broadcast_in_dim3A_584 : i32 to vector<16xi32>
      %sub3A_586 = arith.subi %broadcast_in_dim3A_585, %add3A_570 : vector<16xi32>
      %broadcast_in_dim3A_587 = arith.constant 32 : i32
      %broadcast_in_dim3A_588 = vector.broadcast %broadcast_in_dim3A_587 : i32 to vector<16xi32>
      %sub3A_589 = arith.subi %broadcast_in_dim3A_588, %add3A_571 : vector<16xi32>
      %gather3A_590 = tpu.vector_load_idx %arg6[%broadcast_in_dim3A_583, %sub3A_586] : memref<33x33xi32, #tpu.memory_space<vmem>>[vector<16xi32>, vector<16xi32>], vector<16xi32>,
      %gather3A_591 = tpu.vector_load_idx %arg6[%broadcast_in_dim3A_583, %sub3A_589] : memref<33x33xi32, #tpu.memory_space<vmem>>[vector<16xi32>, vector<16xi32>], vector<16xi32>,
      %mul3A_592 = arith.muli %gather3A_590, %get3A_575 : vector<16xi32>
      %add3A_593 = arith.addi %add3A_567, %mul3A_592 : vector<16xi32>
      %mul3A_594 = arith.muli %gather3A_591, %get3A_581 : vector<16xi32>
      %add3A_595 = arith.addi %add3A_569, %mul3A_594 : vector<16xi32>
      %add3A_596 = arith.addi %add3A_570, %get3A_575 : vector<16xi32>
      %add3A_597 = arith.addi %add3A_571, %get3A_581 : vector<16xi32>
      %get3A_598 = arith.constant 22 : i64
      %get3A_599 = arith.index_cast %get3A_598 : i64 to index
      %get3A_600 = arith.index_cast %mul3A_21 : i32 to index
      %get3A_601 = tpu.vector_load %arg5[%get3A_599, %get3A_600] {strides = array<i32>} : memref<32x1024xi32, #tpu.memory_space<vmem>>, vector<16xi32>,
      %add3A_602 = arith.constant 16 : i32
      %add3A_603 = arith.addi %mul3A_21, %add3A_602 : i32
      %get3A_604 = arith.constant 22 : i64
      %get3A_605 = arith.index_cast %get3A_604 : i64 to index
      %get3A_606 = arith.index_cast %add3A_603 : i32 to index
      %get3A_607 = tpu.vector_load %arg5[%get3A_605, %get3A_606] {strides = array<i32>} : memref<32x1024xi32, #tpu.memory_space<vmem>>, vector<16xi32>,
      %broadcast_in_dim3A_608 = arith.constant 9 : i32
      %broadcast_in_dim3A_609 = vector.broadcast %broadcast_in_dim3A_608 : i32 to vector<16xi32>
      %broadcast_in_dim3A_610 = arith.constant 32 : i32
      %broadcast_in_dim3A_611 = vector.broadcast %broadcast_in_dim3A_610 : i32 to vector<16xi32>
      %sub3A_612 = arith.subi %broadcast_in_dim3A_611, %add3A_596 : vector<16xi32>
      %broadcast_in_dim3A_613 = arith.constant 32 : i32
      %broadcast_in_dim3A_614 = vector.broadcast %broadcast_in_dim3A_613 : i32 to vector<16xi32>
      %sub3A_615 = arith.subi %broadcast_in_dim3A_614, %add3A_597 : vector<16xi32>
      %gather3A_616 = tpu.vector_load_idx %arg6[%broadcast_in_dim3A_609, %sub3A_612] : memref<33x33xi32, #tpu.memory_space<vmem>>[vector<16xi32>, vector<16xi32>], vector<16xi32>,
      %gather3A_617 = tpu.vector_load_idx %arg6[%broadcast_in_dim3A_609, %sub3A_615] : memref<33x33xi32, #tpu.memory_space<vmem>>[vector<16xi32>, vector<16xi32>], vector<16xi32>,
      %mul3A_618 = arith.muli %gather3A_616, %get3A_601 : vector<16xi32>
      %add3A_619 = arith.addi %add3A_593, %mul3A_618 : vector<16xi32>
      %mul3A_620 = arith.muli %gather3A_617, %get3A_607 : vector<16xi32>
      %add3A_621 = arith.addi %add3A_595, %mul3A_620 : vector<16xi32>
      %add3A_622 = arith.addi %add3A_596, %get3A_601 : vector<16xi32>
      %add3A_623 = arith.addi %add3A_597, %get3A_607 : vector<16xi32>
      %get3A_624 = arith.constant 23 : i64
      %get3A_625 = arith.index_cast %get3A_624 : i64 to index
      %get3A_626 = arith.index_cast %mul3A_21 : i32 to index
      %get3A_627 = tpu.vector_load %arg5[%get3A_625, %get3A_626] {strides = array<i32>} : memref<32x1024xi32, #tpu.memory_space<vmem>>, vector<16xi32>,
      %add3A_628 = arith.constant 16 : i32
      %add3A_629 = arith.addi %mul3A_21, %add3A_628 : i32
      %get3A_630 = arith.constant 23 : i64
      %get3A_631 = arith.index_cast %get3A_630 : i64 to index
      %get3A_632 = arith.index_cast %add3A_629 : i32 to index
      %get3A_633 = tpu.vector_load %arg5[%get3A_631, %get3A_632] {strides = array<i32>} : memref<32x1024xi32, #tpu.memory_space<vmem>>, vector<16xi32>,
      %broadcast_in_dim3A_634 = arith.constant 8 : i32
      %broadcast_in_dim3A_635 = vector.broadcast %broadcast_in_dim3A_634 : i32 to vector<16xi32>
      %broadcast_in_dim3A_636 = arith.constant 32 : i32
      %broadcast_in_dim3A_637 = vector.broadcast %broadcast_in_dim3A_636 : i32 to vector<16xi32>
      %sub3A_638 = arith.subi %broadcast_in_dim3A_637, %add3A_622 : vector<16xi32>
      %broadcast_in_dim3A_639 = arith.constant 32 : i32
      %broadcast_in_dim3A_640 = vector.broadcast %broadcast_in_dim3A_639 : i32 to vector<16xi32>
      %sub3A_641 = arith.subi %broadcast_in_dim3A_640, %add3A_623 : vector<16xi32>
      %gather3A_642 = tpu.vector_load_idx %arg6[%broadcast_in_dim3A_635, %sub3A_638] : memref<33x33xi32, #tpu.memory_space<vmem>>[vector<16xi32>, vector<16xi32>], vector<16xi32>,
      %gather3A_643 = tpu.vector_load_idx %arg6[%broadcast_in_dim3A_635, %sub3A_641] : memref<33x33xi32, #tpu.memory_space<vmem>>[vector<16xi32>, vector<16xi32>], vector<16xi32>,
      %mul3A_644 = arith.muli %gather3A_642, %get3A_627 : vector<16xi32>
      %add3A_645 = arith.addi %add3A_619, %mul3A_644 : vector<16xi32>
      %mul3A_646 = arith.muli %gather3A_643, %get3A_633 : vector<16xi32>
      %add3A_647 = arith.addi %add3A_621, %mul3A_646 : vector<16xi32>
      %add3A_648 = arith.addi %add3A_622, %get3A_627 : vector<16xi32>
      %add3A_649 = arith.addi %add3A_623, %get3A_633 : vector<16xi32>
      %get3A_650 = arith.constant 24 : i64
      %get3A_651 = arith.index_cast %get3A_650 : i64 to index
      %get3A_652 = arith.index_cast %mul3A_21 : i32 to index
      %get3A_653 = tpu.vector_load %arg5[%get3A_651, %get3A_652] {strides = array<i32>} : memref<32x1024xi32, #tpu.memory_space<vmem>>, vector<16xi32>,
      %add3A_654 = arith.constant 16 : i32
      %add3A_655 = arith.addi %mul3A_21, %add3A_654 : i32
      %get3A_656 = arith.constant 24 : i64
      %get3A_657 = arith.index_cast %get3A_656 : i64 to index
      %get3A_658 = arith.index_cast %add3A_655 : i32 to index
      %get3A_659 = tpu.vector_load %arg5[%get3A_657, %get3A_658] {strides = array<i32>} : memref<32x1024xi32, #tpu.memory_space<vmem>>, vector<16xi32>,
      %broadcast_in_dim3A_660 = arith.constant 7 : i32
      %broadcast_in_dim3A_661 = vector.broadcast %broadcast_in_dim3A_660 : i32 to vector<16xi32>
      %broadcast_in_dim3A_662 = arith.constant 32 : i32
      %broadcast_in_dim3A_663 = vector.broadcast %broadcast_in_dim3A_662 : i32 to vector<16xi32>
      %sub3A_664 = arith.subi %broadcast_in_dim3A_663, %add3A_648 : vector<16xi32>
      %broadcast_in_dim3A_665 = arith.constant 32 : i32
      %broadcast_in_dim3A_666 = vector.broadcast %broadcast_in_dim3A_665 : i32 to vector<16xi32>
      %sub3A_667 = arith.subi %broadcast_in_dim3A_666, %add3A_649 : vector<16xi32>
      %gather3A_668 = tpu.vector_load_idx %arg6[%broadcast_in_dim3A_661, %sub3A_664] : memref<33x33xi32, #tpu.memory_space<vmem>>[vector<16xi32>, vector<16xi32>], vector<16xi32>,
      %gather3A_669 = tpu.vector_load_idx %arg6[%broadcast_in_dim3A_661, %sub3A_667] : memref<33x33xi32, #tpu.memory_space<vmem>>[vector<16xi32>, vector<16xi32>], vector<16xi32>,
      %mul3A_670 = arith.muli %gather3A_668, %get3A_653 : vector<16xi32>
      %add3A_671 = arith.addi %add3A_645, %mul3A_670 : vector<16xi32>
      %mul3A_672 = arith.muli %gather3A_669, %get3A_659 : vector<16xi32>
      %add3A_673 = arith.addi %add3A_647, %mul3A_672 : vector<16xi32>
      %add3A_674 = arith.addi %add3A_648, %get3A_653 : vector<16xi32>
      %add3A_675 = arith.addi %add3A_649, %get3A_659 : vector<16xi32>
      %get3A_676 = arith.constant 25 : i64
      %get3A_677 = arith.index_cast %get3A_676 : i64 to index
      %get3A_678 = arith.index_cast %mul3A_21 : i32 to index
      %get3A_679 = tpu.vector_load %arg5[%get3A_677, %get3A_678] {strides = array<i32>} : memref<32x1024xi32, #tpu.memory_space<vmem>>, vector<16xi32>,
      %add3A_680 = arith.constant 16 : i32
      %add3A_681 = arith.addi %mul3A_21, %add3A_680 : i32
      %get3A_682 = arith.constant 25 : i64
      %get3A_683 = arith.index_cast %get3A_682 : i64 to index
      %get3A_684 = arith.index_cast %add3A_681 : i32 to index
      %get3A_685 = tpu.vector_load %arg5[%get3A_683, %get3A_684] {strides = array<i32>} : memref<32x1024xi32, #tpu.memory_space<vmem>>, vector<16xi32>,
      %broadcast_in_dim3A_686 = arith.constant 6 : i32
      %broadcast_in_dim3A_687 = vector.broadcast %broadcast_in_dim3A_686 : i32 to vector<16xi32>
      %broadcast_in_dim3A_688 = arith.constant 32 : i32
      %broadcast_in_dim3A_689 = vector.broadcast %broadcast_in_dim3A_688 : i32 to vector<16xi32>
      %sub3A_690 = arith.subi %broadcast_in_dim3A_689, %add3A_674 : vector<16xi32>
      %broadcast_in_dim3A_691 = arith.constant 32 : i32
      %broadcast_in_dim3A_692 = vector.broadcast %broadcast_in_dim3A_691 : i32 to vector<16xi32>
      %sub3A_693 = arith.subi %broadcast_in_dim3A_692, %add3A_675 : vector<16xi32>
      %gather3A_694 = tpu.vector_load_idx %arg6[%broadcast_in_dim3A_687, %sub3A_690] : memref<33x33xi32, #tpu.memory_space<vmem>>[vector<16xi32>, vector<16xi32>], vector<16xi32>,
      %gather3A_695 = tpu.vector_load_idx %arg6[%broadcast_in_dim3A_687, %sub3A_693] : memref<33x33xi32, #tpu.memory_space<vmem>>[vector<16xi32>, vector<16xi32>], vector<16xi32>,
      %mul3A_696 = arith.muli %gather3A_694, %get3A_679 : vector<16xi32>
      %add3A_697 = arith.addi %add3A_671, %mul3A_696 : vector<16xi32>
      %mul3A_698 = arith.muli %gather3A_695, %get3A_685 : vector<16xi32>
      %add3A_699 = arith.addi %add3A_673, %mul3A_698 : vector<16xi32>
      %add3A_700 = arith.addi %add3A_674, %get3A_679 : vector<16xi32>
      %add3A_701 = arith.addi %add3A_675, %get3A_685 : vector<16xi32>
      %get3A_702 = arith.constant 26 : i64
      %get3A_703 = arith.index_cast %get3A_702 : i64 to index
      %get3A_704 = arith.index_cast %mul3A_21 : i32 to index
      %get3A_705 = tpu.vector_load %arg5[%get3A_703, %get3A_704] {strides = array<i32>} : memref<32x1024xi32, #tpu.memory_space<vmem>>, vector<16xi32>,
      %add3A_706 = arith.constant 16 : i32
      %add3A_707 = arith.addi %mul3A_21, %add3A_706 : i32
      %get3A_708 = arith.constant 26 : i64
      %get3A_709 = arith.index_cast %get3A_708 : i64 to index
      %get3A_710 = arith.index_cast %add3A_707 : i32 to index
      %get3A_711 = tpu.vector_load %arg5[%get3A_709, %get3A_710] {strides = array<i32>} : memref<32x1024xi32, #tpu.memory_space<vmem>>, vector<16xi32>,
      %broadcast_in_dim3A_712 = arith.constant 5 : i32
      %broadcast_in_dim3A_713 = vector.broadcast %broadcast_in_dim3A_712 : i32 to vector<16xi32>
      %broadcast_in_dim3A_714 = arith.constant 32 : i32
      %broadcast_in_dim3A_715 = vector.broadcast %broadcast_in_dim3A_714 : i32 to vector<16xi32>
      %sub3A_716 = arith.subi %broadcast_in_dim3A_715, %add3A_700 : vector<16xi32>
      %broadcast_in_dim3A_717 = arith.constant 32 : i32
      %broadcast_in_dim3A_718 = vector.broadcast %broadcast_in_dim3A_717 : i32 to vector<16xi32>
      %sub3A_719 = arith.subi %broadcast_in_dim3A_718, %add3A_701 : vector<16xi32>
      %gather3A_720 = tpu.vector_load_idx %arg6[%broadcast_in_dim3A_713, %sub3A_716] : memref<33x33xi32, #tpu.memory_space<vmem>>[vector<16xi32>, vector<16xi32>], vector<16xi32>,
      %gather3A_721 = tpu.vector_load_idx %arg6[%broadcast_in_dim3A_713, %sub3A_719] : memref<33x33xi32, #tpu.memory_space<vmem>>[vector<16xi32>, vector<16xi32>], vector<16xi32>,
      %mul3A_722 = arith.muli %gather3A_720, %get3A_705 : vector<16xi32>
      %add3A_723 = arith.addi %add3A_697, %mul3A_722 : vector<16xi32>
      %mul3A_724 = arith.muli %gather3A_721, %get3A_711 : vector<16xi32>
      %add3A_725 = arith.addi %add3A_699, %mul3A_724 : vector<16xi32>
      %add3A_726 = arith.addi %add3A_700, %get3A_705 : vector<16xi32>
      %add3A_727 = arith.addi %add3A_701, %get3A_711 : vector<16xi32>
      %get3A_728 = arith.constant 27 : i64
      %get3A_729 = arith.index_cast %get3A_728 : i64 to index
      %get3A_730 = arith.index_cast %mul3A_21 : i32 to index
      %get3A_731 = tpu.vector_load %arg5[%get3A_729, %get3A_730] {strides = array<i32>} : memref<32x1024xi32, #tpu.memory_space<vmem>>, vector<16xi32>,
      %add3A_732 = arith.constant 16 : i32
      %add3A_733 = arith.addi %mul3A_21, %add3A_732 : i32
      %get3A_734 = arith.constant 27 : i64
      %get3A_735 = arith.index_cast %get3A_734 : i64 to index
      %get3A_736 = arith.index_cast %add3A_733 : i32 to index
      %get3A_737 = tpu.vector_load %arg5[%get3A_735, %get3A_736] {strides = array<i32>} : memref<32x1024xi32, #tpu.memory_space<vmem>>, vector<16xi32>,
      %broadcast_in_dim3A_738 = arith.constant 4 : i32
      %broadcast_in_dim3A_739 = vector.broadcast %broadcast_in_dim3A_738 : i32 to vector<16xi32>
      %broadcast_in_dim3A_740 = arith.constant 32 : i32
      %broadcast_in_dim3A_741 = vector.broadcast %broadcast_in_dim3A_740 : i32 to vector<16xi32>
      %sub3A_742 = arith.subi %broadcast_in_dim3A_741, %add3A_726 : vector<16xi32>
      %broadcast_in_dim3A_743 = arith.constant 32 : i32
      %broadcast_in_dim3A_744 = vector.broadcast %broadcast_in_dim3A_743 : i32 to vector<16xi32>
      %sub3A_745 = arith.subi %broadcast_in_dim3A_744, %add3A_727 : vector<16xi32>
      %gather3A_746 = tpu.vector_load_idx %arg6[%broadcast_in_dim3A_739, %sub3A_742] : memref<33x33xi32, #tpu.memory_space<vmem>>[vector<16xi32>, vector<16xi32>], vector<16xi32>,
      %gather3A_747 = tpu.vector_load_idx %arg6[%broadcast_in_dim3A_739, %sub3A_745] : memref<33x33xi32, #tpu.memory_space<vmem>>[vector<16xi32>, vector<16xi32>], vector<16xi32>,
      %mul3A_748 = arith.muli %gather3A_746, %get3A_731 : vector<16xi32>
      %add3A_749 = arith.addi %add3A_723, %mul3A_748 : vector<16xi32>
      %mul3A_750 = arith.muli %gather3A_747, %get3A_737 : vector<16xi32>
      %add3A_751 = arith.addi %add3A_725, %mul3A_750 : vector<16xi32>
      %add3A_752 = arith.addi %add3A_726, %get3A_731 : vector<16xi32>
      %add3A_753 = arith.addi %add3A_727, %get3A_737 : vector<16xi32>
      %get3A_754 = arith.constant 28 : i64
      %get3A_755 = arith.index_cast %get3A_754 : i64 to index
      %get3A_756 = arith.index_cast %mul3A_21 : i32 to index
      %get3A_757 = tpu.vector_load %arg5[%get3A_755, %get3A_756] {strides = array<i32>} : memref<32x1024xi32, #tpu.memory_space<vmem>>, vector<16xi32>,
      %add3A_758 = arith.constant 16 : i32
      %add3A_759 = arith.addi %mul3A_21, %add3A_758 : i32
      %get3A_760 = arith.constant 28 : i64
      %get3A_761 = arith.index_cast %get3A_760 : i64 to index
      %get3A_762 = arith.index_cast %add3A_759 : i32 to index
      %get3A_763 = tpu.vector_load %arg5[%get3A_761, %get3A_762] {strides = array<i32>} : memref<32x1024xi32, #tpu.memory_space<vmem>>, vector<16xi32>,
      %broadcast_in_dim3A_764 = arith.constant 3 : i32
      %broadcast_in_dim3A_765 = vector.broadcast %broadcast_in_dim3A_764 : i32 to vector<16xi32>
      %broadcast_in_dim3A_766 = arith.constant 32 : i32
      %broadcast_in_dim3A_767 = vector.broadcast %broadcast_in_dim3A_766 : i32 to vector<16xi32>
      %sub3A_768 = arith.subi %broadcast_in_dim3A_767, %add3A_752 : vector<16xi32>
      %broadcast_in_dim3A_769 = arith.constant 32 : i32
      %broadcast_in_dim3A_770 = vector.broadcast %broadcast_in_dim3A_769 : i32 to vector<16xi32>
      %sub3A_771 = arith.subi %broadcast_in_dim3A_770, %add3A_753 : vector<16xi32>
      %gather3A_772 = tpu.vector_load_idx %arg6[%broadcast_in_dim3A_765, %sub3A_768] : memref<33x33xi32, #tpu.memory_space<vmem>>[vector<16xi32>, vector<16xi32>], vector<16xi32>,
      %gather3A_773 = tpu.vector_load_idx %arg6[%broadcast_in_dim3A_765, %sub3A_771] : memref<33x33xi32, #tpu.memory_space<vmem>>[vector<16xi32>, vector<16xi32>], vector<16xi32>,
      %mul3A_774 = arith.muli %gather3A_772, %get3A_757 : vector<16xi32>
      %add3A_775 = arith.addi %add3A_749, %mul3A_774 : vector<16xi32>
      %mul3A_776 = arith.muli %gather3A_773, %get3A_763 : vector<16xi32>
      %add3A_777 = arith.addi %add3A_751, %mul3A_776 : vector<16xi32>
      %add3A_778 = arith.addi %add3A_752, %get3A_757 : vector<16xi32>
      %add3A_779 = arith.addi %add3A_753, %get3A_763 : vector<16xi32>
      %get3A_780 = arith.constant 29 : i64
      %get3A_781 = arith.index_cast %get3A_780 : i64 to index
      %get3A_782 = arith.index_cast %mul3A_21 : i32 to index
      %get3A_783 = tpu.vector_load %arg5[%get3A_781, %get3A_782] {strides = array<i32>} : memref<32x1024xi32, #tpu.memory_space<vmem>>, vector<16xi32>,
      %add3A_784 = arith.constant 16 : i32
      %add3A_785 = arith.addi %mul3A_21, %add3A_784 : i32
      %get3A_786 = arith.constant 29 : i64
      %get3A_787 = arith.index_cast %get3A_786 : i64 to index
      %get3A_788 = arith.index_cast %add3A_785 : i32 to index
      %get3A_789 = tpu.vector_load %arg5[%get3A_787, %get3A_788] {strides = array<i32>} : memref<32x1024xi32, #tpu.memory_space<vmem>>, vector<16xi32>,
      %broadcast_in_dim3A_790 = arith.constant 2 : i32
      %broadcast_in_dim3A_791 = vector.broadcast %broadcast_in_dim3A_790 : i32 to vector<16xi32>
      %broadcast_in_dim3A_792 = arith.constant 32 : i32
      %broadcast_in_dim3A_793 = vector.broadcast %broadcast_in_dim3A_792 : i32 to vector<16xi32>
      %sub3A_794 = arith.subi %broadcast_in_dim3A_793, %add3A_778 : vector<16xi32>
      %broadcast_in_dim3A_795 = arith.constant 32 : i32
      %broadcast_in_dim3A_796 = vector.broadcast %broadcast_in_dim3A_795 : i32 to vector<16xi32>
      %sub3A_797 = arith.subi %broadcast_in_dim3A_796, %add3A_779 : vector<16xi32>
      %gather3A_798 = tpu.vector_load_idx %arg6[%broadcast_in_dim3A_791, %sub3A_794] : memref<33x33xi32, #tpu.memory_space<vmem>>[vector<16xi32>, vector<16xi32>], vector<16xi32>,
      %gather3A_799 = tpu.vector_load_idx %arg6[%broadcast_in_dim3A_791, %sub3A_797] : memref<33x33xi32, #tpu.memory_space<vmem>>[vector<16xi32>, vector<16xi32>], vector<16xi32>,
      %mul3A_800 = arith.muli %gather3A_798, %get3A_783 : vector<16xi32>
      %add3A_801 = arith.addi %add3A_775, %mul3A_800 : vector<16xi32>
      %mul3A_802 = arith.muli %gather3A_799, %get3A_789 : vector<16xi32>
      %add3A_803 = arith.addi %add3A_777, %mul3A_802 : vector<16xi32>
      %add3A_804 = arith.addi %add3A_778, %get3A_783 : vector<16xi32>
      %add3A_805 = arith.addi %add3A_779, %get3A_789 : vector<16xi32>
      %get3A_806 = arith.constant 30 : i64
      %get3A_807 = arith.index_cast %get3A_806 : i64 to index
      %get3A_808 = arith.index_cast %mul3A_21 : i32 to index
      %get3A_809 = tpu.vector_load %arg5[%get3A_807, %get3A_808] {strides = array<i32>} : memref<32x1024xi32, #tpu.memory_space<vmem>>, vector<16xi32>,
      %add3A_810 = arith.constant 16 : i32
      %add3A_811 = arith.addi %mul3A_21, %add3A_810 : i32
      %get3A_812 = arith.constant 30 : i64
      %get3A_813 = arith.index_cast %get3A_812 : i64 to index
      %get3A_814 = arith.index_cast %add3A_811 : i32 to index
      %get3A_815 = tpu.vector_load %arg5[%get3A_813, %get3A_814] {strides = array<i32>} : memref<32x1024xi32, #tpu.memory_space<vmem>>, vector<16xi32>,
      %broadcast_in_dim3A_816 = arith.constant 1 : i32
      %broadcast_in_dim3A_817 = vector.broadcast %broadcast_in_dim3A_816 : i32 to vector<16xi32>
      %broadcast_in_dim3A_818 = arith.constant 32 : i32
      %broadcast_in_dim3A_819 = vector.broadcast %broadcast_in_dim3A_818 : i32 to vector<16xi32>
      %sub3A_820 = arith.subi %broadcast_in_dim3A_819, %add3A_804 : vector<16xi32>
      %broadcast_in_dim3A_821 = arith.constant 32 : i32
      %broadcast_in_dim3A_822 = vector.broadcast %broadcast_in_dim3A_821 : i32 to vector<16xi32>
      %sub3A_823 = arith.subi %broadcast_in_dim3A_822, %add3A_805 : vector<16xi32>
      %gather3A_824 = tpu.vector_load_idx %arg6[%broadcast_in_dim3A_817, %sub3A_820] : memref<33x33xi32, #tpu.memory_space<vmem>>[vector<16xi32>, vector<16xi32>], vector<16xi32>,
      %gather3A_825 = tpu.vector_load_idx %arg6[%broadcast_in_dim3A_817, %sub3A_823] : memref<33x33xi32, #tpu.memory_space<vmem>>[vector<16xi32>, vector<16xi32>], vector<16xi32>,
      %mul3A_826 = arith.muli %gather3A_824, %get3A_809 : vector<16xi32>
      %add3A_827 = arith.addi %add3A_801, %mul3A_826 : vector<16xi32>
      %mul3A_828 = arith.muli %gather3A_825, %get3A_815 : vector<16xi32>
      %add3A_829 = arith.addi %add3A_803, %mul3A_828 : vector<16xi32>
      %add3A_830 = arith.addi %add3A_804, %get3A_809 : vector<16xi32>
      %add3A_831 = arith.addi %add3A_805, %get3A_815 : vector<16xi32>
      %get3A_832 = arith.constant 31 : i64
      %get3A_833 = arith.index_cast %get3A_832 : i64 to index
      %get3A_834 = arith.index_cast %mul3A_21 : i32 to index
      %get3A_835 = tpu.vector_load %arg5[%get3A_833, %get3A_834] {strides = array<i32>} : memref<32x1024xi32, #tpu.memory_space<vmem>>, vector<16xi32>,
      %add3A_836 = arith.constant 16 : i32
      %add3A_837 = arith.addi %mul3A_21, %add3A_836 : i32
      %get3A_838 = arith.constant 31 : i64
      %get3A_839 = arith.index_cast %get3A_838 : i64 to index
      %get3A_840 = arith.index_cast %add3A_837 : i32 to index
      %get3A_841 = tpu.vector_load %arg5[%get3A_839, %get3A_840] {strides = array<i32>} : memref<32x1024xi32, #tpu.memory_space<vmem>>, vector<16xi32>,
      %broadcast_in_dim3A_842 = arith.constant 0 : i32
      %broadcast_in_dim3A_843 = vector.broadcast %broadcast_in_dim3A_842 : i32 to vector<16xi32>
      %broadcast_in_dim3A_844 = arith.constant 32 : i32
      %broadcast_in_dim3A_845 = vector.broadcast %broadcast_in_dim3A_844 : i32 to vector<16xi32>
      %sub3A_846 = arith.subi %broadcast_in_dim3A_845, %add3A_830 : vector<16xi32>
      %broadcast_in_dim3A_847 = arith.constant 32 : i32
      %broadcast_in_dim3A_848 = vector.broadcast %broadcast_in_dim3A_847 : i32 to vector<16xi32>
      %sub3A_849 = arith.subi %broadcast_in_dim3A_848, %add3A_831 : vector<16xi32>
      %gather3A_850 = tpu.vector_load_idx %arg6[%broadcast_in_dim3A_843, %sub3A_846] : memref<33x33xi32, #tpu.memory_space<vmem>>[vector<16xi32>, vector<16xi32>], vector<16xi32>,
      %gather3A_851 = tpu.vector_load_idx %arg6[%broadcast_in_dim3A_843, %sub3A_849] : memref<33x33xi32, #tpu.memory_space<vmem>>[vector<16xi32>, vector<16xi32>], vector<16xi32>,
      %mul3A_852 = arith.muli %gather3A_850, %get3A_835 : vector<16xi32>
      %add3A_853 = arith.addi %add3A_827, %mul3A_852 : vector<16xi32>
      %mul3A_854 = arith.muli %gather3A_851, %get3A_841 : vector<16xi32>
      %add3A_855 = arith.addi %add3A_829, %mul3A_854 : vector<16xi32>
      %add3A_856 = arith.addi %add3A_830, %get3A_835 : vector<16xi32>
      %add3A_857 = arith.addi %add3A_831, %get3A_841 : vector<16xi32>
      %swap3A = arith.index_cast %mul3A_21 : i32 to index
      %swap3A_858 = tpu.vector_load %arg7[%swap3A] {strides = array<i32>} : memref<1024xi32, #tpu.memory_space<vmem>>, vector<16xi32>,
      tpu.vector_store %arg7[%swap3A], %add3A_853 {strides = array<i32>} : memref<1024xi32, #tpu.memory_space<vmem>>, vector<16xi32>,
      %add3A_859 = arith.constant 16 : i32
      %add3A_860 = arith.addi %mul3A_21, %add3A_859 : i32
      %swap3A_861 = arith.index_cast %add3A_860 : i32 to index
      %swap3A_862 = tpu.vector_load %arg7[%swap3A_861] {strides = array<i32>} : memref<1024xi32, #tpu.memory_space<vmem>>, vector<16xi32>,
      tpu.vector_store %arg7[%swap3A_861], %add3A_855 {strides = array<i32>} : memref<1024xi32, #tpu.memory_space<vmem>>, vector<16xi32>,
    }
    "tpu.region"() ({
      %run_scoped3A = tpu.sem_alloc : memref<!tpu.dma_semaphore, #tpu.memory_space<semaphore_mem>>
      %dma_start3A_19 = tpu.memref_slice %arg4[%mul3A_2] : memref<16384xi32, #tpu.memory_space<hbm>> -> memref<1024xi32, #tpu.memory_space<hbm>>
      %dma_start3A_20 = tpu.memref_slice %arg4[%mul3A_2] : memref<16384xi32, #tpu.memory_space<hbm>> -> memref<1024xi32, #tpu.memory_space<hbm>>
      tpu.enqueue_dma source(%arg7 : memref<1024xi32, #tpu.memory_space<vmem>>) target(%dma_start3A_20 : memref<1024xi32, #tpu.memory_space<hbm>>) target_semaphore(%run_scoped3A : memref<!tpu.dma_semaphore, #tpu.memory_space<semaphore_mem>>)
      %dma_wait3A_21 = tpu.memref_slice %arg4[%mul3A_2] : memref<16384xi32, #tpu.memory_space<hbm>> -> memref<1024xi32, #tpu.memory_space<hbm>>
      %dma_wait3A_22 = tpu.memref_slice %arg4[%mul3A_2] : memref<16384xi32, #tpu.memory_space<hbm>> -> memref<1024xi32, #tpu.memory_space<hbm>>
      tpu.wait_dma2 semaphore(%run_scoped3A : memref<!tpu.dma_semaphore, #tpu.memory_space<semaphore_mem>>) src(%arg7 : memref<1024xi32, #tpu.memory_space<vmem>>) dst(%dma_wait3A_22 : memref<1024xi32, #tpu.memory_space<hbm>>)
      tpu.yield
    }) : () -> ()
    return
  }
}

</mosaic_0001>

<sc_bundles>
// kernel: kernel.3.cloned.1.call-start
scs
__scs_entry_jumppad:
0x0: {  	(pc) =	sbr.rel $0x88, $3  }
0x1: {  	(tag) =	ssettag $0x0;
	lr =	simm.s32 $0x1  }
0x2: {  	[smem:$0x3F9F] =	sst lr;
	_ =	strace $0xD0000000  }
0x3: {  	_ = 	snop  }
0x4: {  	_ = 	snop  }
0x5: {  	_ = 	snop  }
0x6: {  	_ = 	snop  }
0x7: {  	_ = 	snop  }
__scs_overlays_trampoline_lowered:
0x8: {  	[smem:$0x3FAE] =	sst s0  }
0x9: {  	[smem:$0x3FAF] =	sst s1  }
0xa: {  	[smem:$0x3FB0] =	sst s2  }
0xb: {  	[smem:$0x3FB1] =	sst s3  }
0xc: {  	[smem:$0x3FB2] =	sst s4  }
0xd: {  	[smem:$0x3FB3] =	sst s5  }
0xe: {  	[smem:$0x3FB4] =	sst s6  }
0xf: {  	[smem:$0x3FB5] =	sst s7  }
0x10: {  	[smem:$0x3FB6] =	sst s8  }
0x11: {  	[smem:$0x3FB7] =	sst s9;
	s0 =	simm.s32 @!p0 $0x0  }
0x12: {  	s1 =	sld [smem:$0x3F9D];
	s0 =	simm.s32 @p0 $0x1  }
0x13: {  	[smem:$0x3FB8] =	sst s0;
	s0 =	simm.s32 @!p1 $0x0  }
0x14: {  	s2 =	sld [smem:$0x3F9C];
	s0 =	simm.s32 @p1 $0x1  }
0x15: {  	[smem:$0x3FB9] =	sst s0;
	s0 =	simm.s32 @!p2 $0x0  }
0x16: {  	s3 =	sld [smem:$0x3FDB];
	s0 =	simm.s32 @p2 $0x1  }
0x17: {  	s4 =	simm.s32 $0x1BF5;
	[smem:$0x3FBB] =	sst s0  }
0x18: {  	s0 =	sld [smem:$0x3F9E];
	_ =	swait.ge [sflag:s4], $0x0  }
0x19: {  	s7 =	sld [smem:$0x3F9F]  }
0x1a: {  	s8 =	sadd.s32 $0xFFFFE003, lr  }
0x1b: {  	s9 =	sadd.s32 $0xFFFFFEF7, lr;
	s5 =	simm.s32 $0xFFFFFFFF;
	p2 =	slt.u32 s8, $0xFFFFF086  }
0x1c: {  	p1 =	slt.u32 s9, $0xF7A;
	s5 =	simm.s32 @!p2 $0x0  }
0x1d: {  	s5 =	simm.s32 @p1 $0x1;
	p0 =	seq.s32 s7, s2  }
0x1e: {  	s7 =	smul.u32 @!p0 $0xF7A, s2;
	p2 =	seq.s32 @!p0 s5, $0x0  }
0x1f: {  	s9 =	smul.u32 $0xF7A, s1;
	s8 =	simm.s32 @!p0 $0x1BF5;
	p2 =	por !p2, p0  }
0x20: {  	[sflag:s8] =	ssyncset.s32 @!p0 $0xFFFFF086;
	s6 =	sadd.s32 @!p0 s3, s7;
	s7 =	simm.s32 @!p0 $0x108  }
0x21: {  	s3 =	sadd.s32 s3, s9;
	s6 =	sadd.s32 @!p0 $0x88, s6;
	s7 =	simm.s32 @p2 $0x1082  }
0x22: {  	[simem:s7], [sflag:s8] =	dma.local @!p0 [hbm:s6], $0xF7A  }
0x23: {  	s9 =	sor.u32 $0xD0000000, s2;
	s6 =	simm.s32 $0x108;
	_ =	swait.ge @!p0 [sflag:s8], $0x0  }
0x24: {  	s3 =	sadd.s32 $0x88, s3;
	s6 =	simm.s32 @!p1 $0x1082;
	[sflag:s4] =	ssyncset.s32 $0xFFFFF086  }
0x25: {  	[simem:s6], [sflag:s4] =	dma.local [hbm:s3], $0xF7A  }
0x26: {  	[smem:$0x3F9F] =	sst s1;
	(tag) =	ssettag s2;
	_ =	strace s9  }
0x27: {  	s1 =	sld [smem:$0x3FAF]  }
0x28: {  	s2 =	sld [smem:$0x3FB0]  }
0x29: {  	s4 =	sld [smem:$0x3FB2]  }
0x2a: {  	p0 =	seq.s32 s5, $0x0;
	s5 =	sld [smem:$0x3FB3]  }
0x2b: {  	s6 =	sld [smem:$0x3FB4]  }
0x2c: {  	s7 =	sld [smem:$0x3FB5]  }
0x2d: {  	s3 =	simm.s32 $0x108;
	s8 =	sld [smem:$0x3FB6]  }
0x2e: {  	s3 =	simm.s32 @!p0 $0x1082;
	s9 =	sld [smem:$0x3FB7]  }
0x2f: {  	lr =	sadd.s32 s0, s3;
	s0 =	sld [smem:$0x3FAE]  }
0x30: {  	s3 =	sld [smem:$0x3FB1]  }
0x31: {  	[smem:$0x3FBA] =	sst s10  }
0x32: {  	s10 =	sld [smem:$0x3FB8];
	_ =	sdelay $0x3  }
0x33: {  	p0 =	seq.s32 s10, $0x1;
	s10 =	sld [smem:$0x3FBA];
	_ =	sdelay $0x3  }
0x34: {  	[smem:$0x3FBA] =	sst s10  }
0x35: {  	s10 =	sld [smem:$0x3FB9];
	_ =	sdelay $0x3  }
0x36: {  	p1 =	seq.s32 s10, $0x1;
	s10 =	sld [smem:$0x3FBA];
	_ =	sdelay $0x3  }
0x37: {  	[smem:$0x3FBA] =	sst s10  }
0x38: {  	s10 =	sld [smem:$0x3FBB]  }
0x39: {  	_ = 	snop;
	(pc) =	sbr.ind lr, $3  }
0x3a: {  	_ = 	snop  }
0x3b: {  	_ = 	snop  }
0x3c: {  	p2 =	seq.s32 s10, $0x1;
	s10 =	sld [smem:$0x3FBA]  }
0x3d: {  	_ =	shalt  }
0x3e: {  	_ =	shalt  }
0x3f: {  	_ =	shalt  }
0x40: {  	_ =	shalt  }
0x41: {  	_ =	shalt  }
0x42: {  	_ =	shalt  }
0x43: {  	_ =	shalt  }
0x44: {  	_ =	shalt  }
0x45: {  	_ =	shalt  }
0x46: {  	_ =	shalt  }
0x47: {  	_ =	shalt  }
0x48: {  	_ =	shalt  }
0x49: {  	_ =	shalt  }
0x4a: {  	_ =	shalt  }
0x4b: {  	_ =	shalt  }
0x4c: {  	_ =	shalt  }
0x4d: {  	_ =	shalt  }
0x4e: {  	_ =	shalt  }
0x4f: {  	_ =	shalt  }
0x50: {  	_ =	shalt  }
0x51: {  	_ =	shalt  }
0x52: {  	_ =	shalt  }
0x53: {  	_ =	shalt  }
0x54: {  	_ =	shalt  }
0x55: {  	_ =	shalt  }
0x56: {  	_ =	shalt  }
0x57: {  	_ =	shalt  }
0x58: {  	_ =	shalt  }
0x59: {  	_ =	shalt  }
0x5a: {  	_ =	shalt  }
0x5b: {  	_ =	shalt  }
0x5c: {  	_ =	shalt  }
0x5d: {  	_ =	shalt  }
0x5e: {  	_ =	shalt  }
0x5f: {  	_ =	shalt  }
0x60: {  	_ =	shalt  }
0x61: {  	_ =	shalt  }
0x62: {  	_ =	shalt  }
0x63: {  	_ =	shalt  }
0x64: {  	_ =	shalt  }
0x65: {  	_ =	shalt  }
0x66: {  	_ =	shalt  }
0x67: {  	_ =	shalt  }
0x68: {  	_ =	shalt  }
0x69: {  	_ =	shalt  }
0x6a: {  	_ =	shalt  }
0x6b: {  	_ =	shalt  }
0x6c: {  	_ =	shalt  }
0x6d: {  	_ =	shalt  }
0x6e: {  	_ =	shalt  }
0x6f: {  	_ =	shalt  }
0x70: {  	_ =	shalt  }
0x71: {  	_ =	shalt  }
0x72: {  	_ =	shalt  }
0x73: {  	_ =	shalt  }
0x74: {  	_ =	shalt  }
0x75: {  	_ =	shalt  }
0x76: {  	_ =	shalt  }
0x77: {  	_ =	shalt  }
0x78: {  	_ =	shalt  }
0x79: {  	_ =	shalt  }
0x7a: {  	_ =	shalt  }
0x7b: {  	_ =	shalt  }
0x7c: {  	_ =	shalt  }
0x7d: {  	_ =	shalt  }
0x7e: {  	_ =	shalt  }
0x7f: {  	_ =	shalt  }
0x80: {  	_ =	shalt  }
0x81: {  	_ =	shalt  }
0x82: {  	_ =	shalt  }
0x83: {  	_ =	shalt  }
0x84: {  	_ =	shalt  }
0x85: {  	_ =	shalt  }
0x86: {  	_ =	shalt  }
0x87: {  	_ =	shalt  }
.Lfunc_end0:
.L_simem_size_0:
called_computation_lowered:
.L_overlay_start_0:
0x88: {  	s0 =	sld [smem:$0x3FD9]  }
0x89: {  	s1 =	sld [smem:$0x3FFE];
	_ =	sdelay $0x3  }
0x8a: {  	s0 =	sadd.s32 s1, s0  }
0x8b: {  	[smem:$0x3FC6] =	sst s0  }
0x8c: {  	_ = 	snop  }
0x8d: {  	s0 =	sld [smem:$0x3FD0];
	(tm) =	ssettm $0x1  }
0x8e: {  	s16 =	sld [smem:$0x3FFB];
	_ =	sdelay $0x3  }
0x8f: {  	_ =	strace s16  }
0x90: {  	s1 =	sld [smem:$0x3FFC];
	_ =	sdelay $0x3  }
0x91: {  	_ =	strace s1  }
0x92: {  	s1 =	sld [smem:$0x3FFD];
	_ =	sdelay $0x3  }
0x93: {  	_ =	strace s1  }
0x94: {  	_ =	strace $0x8FFFFFFF  }
0x95: {  	s17 =	sld [smem:$0x3FDB];
	_ =	sdelay $0x1  }
0x96: {  	s2 =	simm.s32 $_scs_section_size  }
0x97: {  	s3 =	simm.s32 $_size__tile_overlayer_lowered;
	s4 =	simm.s32 $_tile_overlayer_lowered  }
0x98: {  	s20 =	simm.s32 $0x1BFF;
	s19 =	sshll.u32 s4, $0x1;
	s1 =	sadd.s32 s2, s17  }
0x99: {  	s5 =	simm.s32 $0x0;
	s18 =	sshll.u32 s3, $0x1;
	s3 =	sadd.s32 s19, s1  }
0x9a: {  	[timem:s5], [sflag:s20] =	dma.local [hbm:s3], s18  }
0x9b: {  	_ =	swait.ge [sflag:s20], s18  }
0x9c: {  	s2 =	ssub.s32 $0x0, s18;
	[sflag:s20] =	ssyncset.done $0x0  }
0x9d: {  	[sflag:s20] =	ssyncadd.s32 s2;
	_ =	sdelay $0x1  }
0x9e: {  	s21 =	simm.s32 $0x1B8B  }
0x9f: {  	_ =	swait.ge [sflag:s21], $0x1  }
0xa0: {  	[sflag:s21] =	ssyncset.done $0x0  }
0xa1: {  	s23 =	simm.s32 $0x1B8E;
	s22 =	sld [smem:$0x3FFE];
	[sflag:s21] =	ssyncadd.s32 $0xFFFFFFFF  }
0xa2: {  	s24 =	simm.s32 $execute0_lowered;
	[smem:$0x3FD2] =	sst s23  }
0xa3: {  	s3 =	sshll.u32 s24, $0x1;
	_ =	strace $0x80000046;
	[dreg:$0x1] =	wrdreg $0xFFFFFFFF  }
0xa4: {  	s25 =	simm.s32 $_size_execute0_lowered;
	s1 =	sadd.s32 s1, s3;
	[dreg:$0x0] =	wrdreg $0x0  }
0xa5: {  	s3 =	sshll.u32 s25, $0x1;
	[dreg:$0x2] =	wrdreg s1  }
0xa6: {  	[dreg:$0x3] =	wrdreg s3  }
0xa7: {  	[dreg:$0x4] =	wrdreg $0xC0  }
0xa8: {  	_ =	task [dreg:s5], $0x5FFFF  }
0xa9: {  	[dreg:$0x1] =	wrdreg $0xFFFFFFFF  }
0xaa: {  	[dreg:$0x0] =	wrdreg $0x60  }
0xab: {  	[dreg:$0x2] =	wrdreg s22  }
0xac: {  	[dreg:$0x3] =	wrdreg s0  }
0xad: {  	[dreg:$0x4] =	wrdreg $0x9  }
0xae: {  	_ =	task.clear_ibuf [dreg:s5], $0x5FFFF;
	_ =	strace $0x90000046  }
0xaf: {  	s26 =	simm.s32 $0x9;
	_ =	strace $0x80000048  }
0xb0: {  	_ =	swait.ge [sflag:s26], $0x1  }
0xb1: {  	[sflag:s26] =	ssyncadd.s32 $0xFFFFFFFF  }
0xb2: {  	_ =	strace $0x90000048  }
0xb3: {  	_ =	sfence  }
0xb4: {  	s28 =	sld [smem:$0x0];
	_ =	sdelay $0x1  }
0xb5: {  	s29 =	srdreg.scid  }
0xb6: {  	s30 =	sshll.u32 s29, $0xD;
	s31 =	sshrl.u32 s29, $0x2  }
0xb7: {  	s2 =	sand.u32 $0x4000, s30;
	s1 =	sand.u32 $0x1, s29;
	s0 =	sadd.s32 s31, s28  }
0xb8: {  	s1 =	sor.u32 s2, s1;
	s0 =	sshll.u32 s0, $0x11  }
0xb9: {  	s0 =	sor.u32 s0, s1  }
0xba: {  	s0 =	sadd.s32 $0x8F2B, s0  }
0xbb: {  	[sflag:s0] =	ssyncadd.remote.s32 $0x1  }
0xbc: {  	_ =	sfence.sel $0xFFFF  }
0xbd: {  	[dreg:$0x0] =	wrdreg $0xFFFFFFFF;
	(pc) =	sbr.abs _section_cstart, $3  }
0xbe: {  	[dreg:$0x1] =	wrdreg $0xFFFFFFFF  }
0xbf: {  	_ =	task.clear_ibuf [dreg:s5], $0x2FFFF;
	_ =	strace $0x9FFFFFFF  }
0xc0: {  	(tm) =	ssettm $0x7FFFFFFF  }
0xc1: {  	_ =	shalt  }
tec
execute0_lowered:
.L_overlay_start_1:
0x0: {  	(tag) =	ssettag $0x1  }
0x1: {  	s4 =	rddreg [dreg:$0x0]  }
0x2: {  	s2 =	rddreg [dreg:$0x1]  }
0x3: {  	s0 =	rddreg [dreg:$0x2]  }
0x4: {  	s3 =	simm.s32 $0x0;
	s1 =	stileid.u32;
	s29 =	simm.s32 $0x2000  }
0x5: {  	[smem:$0x7FF] =	sst s3;
	s5 =	sshll.u32 s1, $0xA;
	s6 =	sadd.s32 $0x600, s4  }
0x6: {  	_ =	strace $0x80000047;
	s5 =	sadd.s32 s5, s4;
	s4 =	simm.s32 $0x8000  }
0x7: {  	[tilespmem:s4], [sflag:$0x1] =	stream.linear.gather [hbm4b:s6+s3], $0x1080, $0x38;
	[tilespmem:$0x9800] =	vst v63  }
0x8: {  	s7 =	simm.s32 $0x20000;
	s30 =	simm.s32 $0x1;
	s5 =	sadd.s32 $0xA00, s5  }
0x9: {  	[tilespmem:s3], [sflag:$0x2] =	stream.strided.gather [hbm4b:s5+s29], $0x8000, s7, s29, $0x38;
	[tilespmem:$0x9800] =	vst v63  }
0xa: {  	_ =	swait.ge [sflag:s30], $0x1080  }
0xb: {  	[sflag:s30] =	ssyncset.done $0x0  }
0xc: {  	s31 =	simm.s32 $0x2;
	[sflag:s30] =	ssyncadd.s32 $0xFFFFEF80  }
0xd: {  	_ =	swait.ge [sflag:s31], $0x8000  }
0xe: {  	[sflag:s31] =	ssyncset.done $0x0  }
0xf: {  	s6 =	simm.s32 $0x0;
	s5 =	simm.s32 $0x9400;
	[sflag:s31] =	ssyncadd.s32 $0xFFFF8000  }
.LBB2_1:
0x10: {  	s8 =	sand.u32 $0x60, s6;
	s9 =	sand.u32 $0x1C00, s3  }
0x11: {  	s10 =	sor.u32 s8, s9  }
0x12: {  	v23 =	vld [tilespmem:s10+$0x0]  }
0x13: {  	v30 =	vld [tilespmem:s10+$0x80]  }
0x14: {  	v14 =	vld [tilespmem:s10+$0x100]  }
0x15: {  	v12 =	vld [tilespmem:s10+$0x180]  }
0x16: {  	v25 =	vld [tilespmem:s10+$0x200]  }
0x17: {  	s7 =	sor.u32 $0x10, s8;
	v26 =	vld [tilespmem:s10+$0x280]  }
0x18: {  	s11 =	sor.u32 s7, s9;
	v15 =	vld [tilespmem:s10+$0x300]  }
0x19: {  	v20 =	vld [tilespmem:s11+$0x0]  }
0x1a: {  	v24 =	vld [tilespmem:s11+$0x80]  }
0x1b: {  	v11 =	vld [tilespmem:s11+$0x100]  }
0x1c: {  	v31 =	vld [tilespmem:s11+$0x180]  }
0x1d: {  	v27 =	vld [tilespmem:s11+$0x200]  }
0x1e: {  	v28 =	vld [tilespmem:s11+$0x280]  }
0x1f: {  	s31 =	sor.u32 $0x2000, s9;
	v16 =	vld [tilespmem:s11+$0x300];
	v0 =	vsub.s32 $0xF20, v23  }
0x20: {  	s17 =	sor.u32 $0x2180, s9;
	s12 =	sor.u32 s8, s31;
	v9 =	vld [tilespmem:s11+$0x380]  }
0x21: {  	s22 =	sor.u32 $0x2280, s9;
	s18 =	sor.u32 s8, s17;
	v42 =	vld [tilespmem:s12+$0x0];
	v2 =	vadd.s32 v23, v30;
	v1 =	vsub.s32 $0xF20, v20  }
0x22: {  	s23 =	sor.u32 s8, s22;
	v40 =	vld [tilespmem:s18+$0x0];
	v3 =	vadd.s32 v20, v24;
	v4 =	vsub.s32 $0xEA0, v2  }
0x23: {  	v44 =	vld [tilespmem:s23+$0x0];
	v2 =	vadd.s32 v2, v14;
	v5 =	vsub.s32 $0xEA0, v3  }
0x24: {  	v7 =	vsub.s32 $0xE20, v2;
	v17 =	vadd.s32 v3, v11;
	v61 =	vld.idx.msk [tilespmem:v0+s4+$0x0], $0xffff  }
0x25: {  	v2 =	vadd.s32 v2, v12;
	v18 =	vsub.s32 $0xE20, v17;
	v0 =	vadd.s32 v17, v31;
	v17 =	vld [tilespmem:s10+$0x380]  }
0x26: {  	v22 =	vsub.s32 $0xDA0, v2;
	v56 =	vld.idx.msk [tilespmem:v1+s4+$0x0], $0xffff  }
0x27: {  	v36 =	vadd.s32 v2, v25;
	v19 =	vld.idx.msk [tilespmem:v4+s4+$0x0], $0xffff  }
0x28: {  	v2 =	vsub.s32 $0xD20, v36;
	v21 =	vld.idx.msk [tilespmem:v5+s4+$0x0], $0xffff  }
0x29: {  	v33 =	vsub.s32 $0xDA0, v0;
	v0 =	vadd.s32 v0, v27;
	v32 =	vld.idx.msk [tilespmem:v7+s4+$0x0], $0xffff  }
0x2a: {  	s15 =	sor.u32 $0x2100, s9;
	v37 =	vsub.s32 $0xD20, v0;
	v1 =	vld.idx.msk [tilespmem:v18+s4+$0x0], $0xffff  }
0x2b: {  	s16 =	sor.u32 s8, s15;
	v34 =	vld.idx.msk [tilespmem:v22+s4+$0x0], $0xffff  }
0x2c: {  	v0 =	vadd.s32 v0, v28;
	v18 =	vld [tilespmem:s16+$0x0]  }
0x2d: {  	v39 =	vsub.s32 $0xCA0, v0;
	v0 =	vadd.s32 v0, v16;
	v57 =	vld.idx.msk [tilespmem:v2+s4+$0x0], $0xffff  }
0x2e: {  	s13 =	sor.u32 $0x2080, s9;
	v8 =	vsub.s32 $0xC20, v0;
	v35 =	vld.idx.msk [tilespmem:v33+s4+$0x0], $0xffff  }
0x2f: {  	s14 =	sor.u32 s8, s13;
	v63 =	vld.idx.msk [tilespmem:v37+s4+$0x0], $0xffff  }
0x30: {  	s10 =	sor.u32 s7, s31;
	v0 =	vadd.s32 v0, v9;
	[tilespmem:$0x1FF10] =	vst v21;
	v21 =	vld [tilespmem:s14+$0x0]  }
0x31: {  	v10 =	vsub.s32 $0xBA0, v0;
	[tilespmem:$0x1FF40] =	vst v34;
	v34 =	vld [tilespmem:s10+$0x0]  }
0x32: {  	v48 =	vld.idx.msk [tilespmem:v39+s4+$0x0], $0xffff  }
0x33: {  	s19 =	sor.u32 $0x2200, s9;
	[tilespmem:$0x1FF30] =	vst v1;
	v1 =	vadd.s32 v36, v26;
	s10 =	sor.u32 s7, s13;
	v53 =	vld.idx.msk [tilespmem:v8+s4+$0x0], $0xffff  }
0x34: {  	s21 =	sor.u32 s7, s19;
	v38 =	vsub.s32 $0xCA0, v1;
	v33 =	vld [tilespmem:s10+$0x0]  }
0x35: {  	v1 =	vadd.s32 v1, v15;
	v8 =	vld [tilespmem:s21+$0x0]  }
0x36: {  	s10 =	sor.u32 s7, s15;
	v41 =	vsub.s32 $0xC20, v1;
	v1 =	vadd.s32 v1, v17;
	v55 =	vld.idx.msk [tilespmem:v10+s4+$0x0], $0xffff  }
0x37: {  	s20 =	sor.u32 s8, s19;
	v13 =	vld [tilespmem:s10+$0x0];
	v43 =	vsub.s32 $0xBA0, v1  }
0x38: {  	v10 =	vld [tilespmem:s20+$0x0];
	v1 =	vadd.s32 v1, v42  }
0x39: {  	s10 =	sor.u32 s7, s17;
	v50 =	vsub.s32 $0xB20, v1;
	v1 =	vadd.s32 v1, v21;
	v62 =	vld.idx.msk [tilespmem:v38+s4+$0x0], $0xffff  }
0x3a: {  	v0 =	vadd.s32 v0, v34;
	v58 =	vsub.s32 $0xAA0, v1;
	v38 =	vld [tilespmem:s10+$0x0]  }
0x3b: {  	v4 =	vadd.s32 v1, v18;
	v54 =	vsub.s32 $0xB20, v0;
	v45 =	vld.idx.msk [tilespmem:v41+s4+$0x0], $0xffff  }
0x3c: {  	s24 =	sor.u32 s7, s22;
	v22 =	vsub.s32 $0xA20, v4;
	v52 =	vld.idx.msk [tilespmem:v43+s4+$0x0], $0xffff  }
0x3d: {  	v0 =	vadd.s32 v0, v33;
	v43 =	vld [tilespmem:s24+$0x0]  }
0x3e: {  	[tilespmem:$0x1FF00] =	vst v19;
	v19 =	vsub.s32 $0xAA0, v0;
	v2 =	vld.idx.msk [tilespmem:v50+s4+$0x0], $0xffff  }
0x3f: {  	[tilespmem:$0x1FF20] =	vst v32;
	v32 =	vadd.s32 v4, v40;
	v60 =	vld.idx.msk [tilespmem:v58+s4+$0x0], $0xffff  }
0x40: {  	s25 =	sor.u32 $0x2300, s9;
	[tilespmem:$0x1FF50] =	vst v35;
	v0 =	vadd.s32 v0, v13;
	v35 =	vsub.s32 $0x9A0, v32;
	v59 =	vld.idx.msk [tilespmem:v54+s4+$0x0], $0xffff  }
0x41: {  	s26 =	sor.u32 s8, s25;
	v6 =	vadd.s32 v32, v10;
	v29 =	vsub.s32 $0xA20, v0;
	v5 =	vld.idx.msk [tilespmem:v22+s4+$0x0], $0xffff  }
0x42: {  	v37 =	vsub.s32 $0x920, v6;
	v22 =	vld [tilespmem:s26+$0x0]  }
0x43: {  	s10 =	sor.u32 s7, s25;
	v50 =	vld.idx.msk [tilespmem:v19+s4+$0x0], $0xffff  }
0x44: {  	v41 =	vadd.s32 v6, v44;
	v19 =	vld [tilespmem:s10+$0x0]  }
0x45: {  	v7 =	vsub.s32 $0x8A0, v41;
	v47 =	vld.idx.msk [tilespmem:v35+s4+$0x0], $0xffff  }
0x46: {  	s28 =	sor.u32 $0x2380, s9;
	v0 =	vadd.s32 v0, v38;
	v49 =	vld.idx.msk [tilespmem:v29+s4+$0x0], $0xffff  }
0x47: {  	s15 =	sor.u32 $0x4100, s9;
	v36 =	vsub.s32 $0x9A0, v0;
	v0 =	vadd.s32 v0, v8;
	s10 =	sor.u32 s7, s28;
	v54 =	vld.idx.msk [tilespmem:v37+s4+$0x0], $0xffff  }
0x48: {  	s16 =	sor.u32 s8, s15;
	v39 =	vsub.s32 $0x920, v0;
	v35 =	vld [tilespmem:s10+$0x0]  }
0x49: {  	s30 =	sor.u32 $0x4000, s9;
	v0 =	vadd.s32 v0, v43;
	v37 =	vld [tilespmem:s16+$0x0]  }
0x4a: {  	[tilespmem:$0x1FF70] =	vst v55;
	s10 =	sor.u32 s7, s30;
	v51 =	vsub.s32 $0x8A0, v0;
	v58 =	vld.idx.msk [tilespmem:v7+s4+$0x0], $0xffff;
	v55 =	vadd.s32 v41, v22  }
0x4b: {  	[tilespmem:$0x1FF60] =	vst v52;
	v52 =	vld [tilespmem:s10+$0x0];
	v41 =	vsub.s32 $0x820, v55  }
0x4c: {  	[tilespmem:$0x1FFA0] =	vst v60;
	v36 =	vld.idx.msk [tilespmem:v36+s4+$0x0], $0xffff;
	v0 =	vadd.s32 v0, v19  }
0x4d: {  	s29 =	sor.u32 s8, s28;
	[tilespmem:$0x1FF90] =	vst v59;
	v59 =	vld.idx.msk [tilespmem:v39+s4+$0x0], $0xffff;
	v60 =	vsub.s32 $0x820, v0  }
0x4e: {  	v39 =	vld [tilespmem:s29+$0x0]  }
0x4f: {  	v4 =	vld.idx.msk [tilespmem:v51+s4+$0x0], $0xffff  }
0x50: {  	s31 =	sor.u32 s8, s30;
	[tilespmem:$0x1FFB0] =	vst v5;
	v5 =	vld.idx.msk [tilespmem:v41+s4+$0x0], $0xffff;
	v41 =	vimm.s32 $0xFA0  }
0x51: {  	s12 =	sor.u32 $0x4080, s9;
	v51 =	vld [tilespmem:s31+$0x0]  }
0x52: {  	s13 =	sor.u32 s8, s12;
	v0 =	vadd.s32 v0, v35;
	v6 =	vld.idx.msk [tilespmem:v60+s4+$0x0], $0xffff  }
0x53: {  	s14 =	sor.u32 s7, s12;
	[tilespmem:$0x1FFC0] =	vst v59;
	v59 =	vld [tilespmem:s13+$0x0];
	v60 =	vsub.s32 $0x7A0, v0  }
0x54: {  	[tilespmem:$0x1FF80] =	vst v2;
	v7 =	vadd.s32 v55, v39;
	v55 =	vld [tilespmem:s14+$0x0]  }
0x55: {  	[tilespmem:$0x1FFD0] =	vst v4;
	v2 =	vld.idx.msk [tilespmem:v41+s4+$0x0], $0xffff  }
0x56: {  	s17 =	sor.u32 s7, s15;
	v10 =	vmul.u32 v10, v47;
	v47 =	vld [tilespmem:$0x1FFD0]  }
0x57: {  	s18 =	sor.u32 $0x4180, s9;
	v46 =	vsub.s32 $0x7A0, v7;
	v29 =	vadd.s32 v7, v51;
	v41 =	vld [tilespmem:s17+$0x0]  }
0x58: {  	s20 =	sor.u32 s7, s18;
	v4 =	vsub.s32 $0x720, v29;
	v1 =	vadd.s32 v29, v59;
	v29 =	vld.idx.msk [tilespmem:v60+s4+$0x0], $0xffff  }
0x59: {  	v60 =	vld [tilespmem:s20+$0x0]  }
0x5a: {  	[tilespmem:$0x1FFE0] =	vst v5;
	v23 =	vmul.u32 v23, v2;
	v2 =	vmul.u32 v20, v2;
	v20 =	vmul.u32 v24, v56;
	v56 =	vld [tilespmem:$0x1FF00]  }
0x5b: {  	v38 =	vmul.u32 v38, v49;
	v49 =	vld [tilespmem:$0x1FFE0]  }
0x5c: {  	s19 =	sor.u32 s8, s18;
	v0 =	vadd.s32 v0, v52;
	v32 =	vld.idx.msk [tilespmem:v46+s4+$0x0], $0xffff  }
0x5d: {  	v30 =	vmul.u32 v30, v61;
	v3 =	vsub.s32 $0x720, v0;
	v46 =	vld [tilespmem:s19+$0x0]  }
0x5e: {  	[tilespmem:$0x1FFF0] =	vst v6;
	v0 =	vadd.s32 v0, v55;
	v6 =	vsub.s32 $0x6A0, v1;
	v1 =	vadd.s32 v1, v37;
	v61 =	vld.idx.msk [tilespmem:v4+s4+$0x0], $0xffff  }
0x5f: {  	v5 =	vsub.s32 $0x6A0, v0;
	v2 =	vadd.s32 v2, v20;
	v20 =	vld [tilespmem:$0x1FF10];
	v14 =	vmul.u32 v14, v56  }
0x60: {  	v7 =	vsub.s32 $0x620, v1;
	v23 =	vadd.s32 v23, v30;
	v56 =	vld [tilespmem:$0x1FF20]  }
0x61: {  	v30 =	vadd.s32 v14, v23;
	v14 =	vld [tilespmem:$0x1FF30]  }
0x62: {  	v4 =	vadd.s32 v0, v41;
	v0 =	vld.idx.msk [tilespmem:v3+s4+$0x0], $0xffff  }
0x63: {  	v24 =	vld.idx.msk [tilespmem:v6+s4+$0x0], $0xffff  }
0x64: {  	v6 =	vmul.u32 v11, v20;
	v20 =	vld.idx.msk [tilespmem:v5+s4+$0x0], $0xffff  }
0x65: {  	v23 =	vld.idx.msk [tilespmem:v7+s4+$0x0], $0xffff;
	v12 =	vmul.u32 v12, v56  }
0x66: {  	s21 =	sor.u32 $0x4200, s9;
	v3 =	vsub.s32 $0x620, v4;
	v7 =	vmul.u32 v31, v14;
	v31 =	vld [tilespmem:$0x1FF50]  }
0x67: {  	s22 =	sor.u32 s8, s21;
	v11 =	vadd.s32 v12, v30;
	v30 =	vld [tilespmem:$0x1FF40]  }
0x68: {  	s30 =	sor.u32 $0x4380, s9;
	s10 =	sor.u32 s7, s21;
	v1 =	vadd.s32 v1, v46;
	v2 =	vadd.s32 v6, v2;
	v6 =	vld [tilespmem:s22+$0x0]  }
0x69: {  	s12 =	sor.u32 s7, s30;
	v5 =	vsub.s32 $0x5A0, v1;
	v12 =	vld [tilespmem:s10+$0x0]  }
0x6a: {  	s23 =	sor.u32 $0x4280, s9;
	v4 =	vadd.s32 v4, v60;
	v2 =	vadd.s32 v7, v2;
	v7 =	vld [tilespmem:s12+$0x0]  }
0x6b: {  	s25 =	sor.u32 s7, s23;
	v14 =	vsub.s32 $0x5A0, v4;
	v56 =	vmul.u32 v27, v31;
	v27 =	vld.idx.msk [tilespmem:v3+s4+$0x0], $0xffff  }
0x6c: {  	v25 =	vmul.u32 v25, v30;
	v31 =	vmul.u32 v15, v62;
	v62 =	vmul.u32 v9, v53;
	v9 =	vld [tilespmem:s25+$0x0]  }
0x6d: {  	v57 =	vmul.u32 v26, v57;
	v53 =	vld [tilespmem:$0x1FF80]  }
0x6e: {  	s24 =	sor.u32 s8, s23;
	v11 =	vadd.s32 v25, v11;
	v25 =	vld.idx.msk [tilespmem:v5+s4+$0x0], $0xffff  }
0x6f: {  	s26 =	sor.u32 $0x4300, s9;
	v3 =	vadd.s32 v57, v11;
	v11 =	vld [tilespmem:s24+$0x0]  }
0x70: {  	s28 =	sor.u32 s8, s26;
	v57 =	vmul.u32 v17, v45;
	v17 =	vld.idx.msk [tilespmem:v14+s4+$0x0], $0xffff  }
0x71: {  	v28 =	vmul.u32 v28, v63;
	v4 =	vadd.s32 v4, v12;
	v14 =	vld [tilespmem:s28+$0x0]  }
0x72: {  	v26 =	vsub.s32 $0x520, v4;
	v2 =	vadd.s32 v56, v2;
	v56 =	vmul.u32 v16, v48;
	v45 =	vld [tilespmem:$0x1FF70]  }
0x73: {  	v2 =	vadd.s32 v28, v2;
	v3 =	vadd.s32 v31, v3;
	v31 =	vld [tilespmem:$0x1FF60]  }
0x74: {  	s29 =	sor.u32 s7, s26;
	v2 =	vadd.s32 v56, v2;
	v56 =	vld [tilespmem:$0x1FF90]  }
0x75: {  	s31 =	sor.u32 s8, s30;
	v1 =	vadd.s32 v1, v6;
	v15 =	vld [tilespmem:s29+$0x0]  }
0x76: {  	v16 =	vsub.s32 $0x520, v1;
	s24 =	sor.u32 $0x6280, s9;
	v63 =	vadd.s32 v57, v3;
	v3 =	vld [tilespmem:s31+$0x0]  }
0x77: {  	s26 =	sor.u32 s7, s24;
	v2 =	vadd.s32 v62, v2;
	v21 =	vmul.u32 v21, v53;
	v26 =	vld.idx.msk [tilespmem:v26+s4+$0x0], $0xffff;
	v6 =	vmul.u32 v6, v25  }
0x78: {  	s13 =	sor.u32 $0x6000, s9;
	v25 =	vld [tilespmem:s26+$0x0];
	v48 =	vmul.u32 v34, v45;
	v1 =	vadd.s32 v1, v11;
	v42 =	vmul.u32 v42, v31  }
0x79: {  	s10 =	sor.u32 s7, s13;
	v57 =	vmul.u32 v33, v56;
	v62 =	vsub.s32 $0x4A0, v1;
	v1 =	vadd.s32 v1, v14;
	v56 =	vld [tilespmem:$0x1FFB0]  }
0x7a: {  	v2 =	vadd.s32 v48, v2;
	v45 =	vsub.s32 $0x420, v1;
	v48 =	vmul.u32 v13, v50;
	v13 =	vld [tilespmem:s10+$0x0]  }
0x7b: {  	v8 =	vmul.u32 v8, v36;
	v5 =	vadd.s32 v42, v63;
	v2 =	vadd.s32 v57, v2;
	v42 =	vld [tilespmem:$0x1FFA0]  }
0x7c: {  	s15 =	sor.u32 $0x6080, s9;
	s14 =	sor.u32 s8, s13;
	v4 =	vadd.s32 v4, v9;
	v5 =	vadd.s32 v21, v5;
	v21 =	vld.idx.msk [tilespmem:v16+s4+$0x0], $0xffff;
	v2 =	vadd.s32 v48, v2  }
0x7d: {  	v1 =	vadd.s32 v1, v3;
	s10 =	sor.u32 s7, s15;
	v63 =	vsub.s32 $0x4A0, v4;
	v16 =	vld [tilespmem:s14+$0x0];
	v2 =	vadd.s32 v38, v2  }
0x7e: {  	v53 =	vsub.s32 $0x3A0, v1;
	v2 =	vadd.s32 v8, v2;
	v8 =	vmul.u32 v19, v47;
	v19 =	vld [tilespmem:s10+$0x0]  }
0x7f: {  	v4 =	vadd.s32 v4, v15;
	v30 =	vld.idx.msk [tilespmem:v45+s4+$0x0], $0xffff  }
0x80: {  	s16 =	sor.u32 s8, s15;
	v50 =	vsub.s32 $0x420, v4;
	v45 =	vld [tilespmem:$0x1FFC0]  }
0x81: {  	v18 =	vmul.u32 v18, v42;
	v42 =	vld [tilespmem:s16+$0x0]  }
0x82: {  	s19 =	sor.u32 $0x6180, s9;
	v4 =	vadd.s32 v4, v7;
	v33 =	vmul.u32 v40, v56;
	v28 =	vld.idx.msk [tilespmem:v63+s4+$0x0], $0xffff  }
0x83: {  	s20 =	sor.u32 s8, s19;
	v57 =	vsub.s32 $0x3A0, v4;
	v31 =	vld.idx.msk [tilespmem:v53+s4+$0x0], $0xffff;
	v5 =	vadd.s32 v18, v5  }
0x84: {  	v4 =	vadd.s32 v4, v13;
	v53 =	vmul.u32 v37, v24;
	v24 =	vld [tilespmem:s20+$0x0];
	v5 =	vadd.s32 v33, v5  }
0x85: {  	s21 =	sor.u32 $0x6200, s9;
	v63 =	vmul.u32 v44, v54;
	v44 =	vsub.s32 $0x320, v4;
	v5 =	vadd.s32 v10, v5;
	v10 =	vld.idx.msk [tilespmem:v50+s4+$0x0], $0xffff  }
0x86: {  	v22 =	vmul.u32 v22, v58;
	v32 =	vmul.u32 v51, v32;
	s22 =	sor.u32 s8, s21;
	v50 =	vld [tilespmem:$0x1FFF0]  }
0x87: {  	v51 =	vmul.u32 v52, v29;
	v52 =	vmul.u32 v59, v61;
	v0 =	vmul.u32 v55, v0;
	v37 =	vld [tilespmem:s22+$0x0]  }
0x88: {  	v20 =	vmul.u32 v41, v20;
	v1 =	vadd.s32 v1, v16;
	v18 =	vld.idx.msk [tilespmem:v62+s4+$0x0], $0xffff;
	v36 =	vmul.u32 v43, v45  }
0x89: {  	s17 =	sor.u32 $0x6100, s9;
	v23 =	vmul.u32 v46, v23;
	v62 =	vsub.s32 $0x320, v1;
	v38 =	vld.idx.msk [tilespmem:v57+s4+$0x0], $0xffff;
	v4 =	vadd.s32 v4, v19  }
0x8a: {  	s18 =	sor.u32 s8, s17;
	s28 =	sor.u32 $0x6300, s9;
	v27 =	vmul.u32 v60, v27;
	v54 =	vsub.s32 $0x2A0, v4;
	v34 =	vld.idx.msk [tilespmem:v44+s4+$0x0], $0xffff;
	v2 =	vadd.s32 v36, v2  }
0x8b: {  	s29 =	sor.u32 s8, s28;
	v5 =	vadd.s32 v63, v5;
	v2 =	vadd.s32 v8, v2;
	v8 =	vmul.u32 v35, v50;
	v35 =	vld [tilespmem:s18+$0x0]  }
0x8c: {  	v12 =	vmul.u32 v12, v17;
	s10 =	sor.u32 s7, s17;
	v5 =	vadd.s32 v22, v5;
	v22 =	vmul.u32 v39, v49;
	v36 =	vld [tilespmem:s29+$0x0]  }
0x8d: {  	v9 =	vmul.u32 v9, v26;
	v11 =	vmul.u32 v11, v21;
	v2 =	vadd.s32 v8, v2;
	v8 =	vld [tilespmem:s10+$0x0]  }
0x8e: {  	v3 =	vmul.u32 v3, v30;
	v1 =	vadd.s32 v1, v42;
	v33 =	vld.idx.msk [tilespmem:v62+s4+$0x0], $0xffff;
	v5 =	vadd.s32 v22, v5  }
0x8f: {  	v48 =	vsub.s32 $0x2A0, v1;
	v5 =	vadd.s32 v32, v5;
	v57 =	vld.idx.msk [tilespmem:v54+s4+$0x0], $0xffff;
	s10 =	sor.u32 s7, s19;
	v2 =	vadd.s32 v51, v2  }
0x90: {  	s23 =	sor.u32 s7, s21;
	v5 =	vadd.s32 v52, v5;
	v32 =	vld [tilespmem:s10+$0x0];
	v0 =	vadd.s32 v0, v2;
	v1 =	vadd.s32 v1, v35  }
0x91: {  	s9 =	sor.u32 $0x6380, s9;
	s25 =	sor.u32 s8, s24;
	v2 =	vadd.s32 v53, v5;
	v5 =	vld [tilespmem:s23+$0x0];
	v55 =	vsub.s32 $0x220, v1;
	v1 =	vadd.s32 v1, v24  }
0x92: {  	s8 =	sor.u32 s8, s9;
	v0 =	vadd.s32 v20, v0;
	v20 =	vld [tilespmem:s25+$0x0];
	v4 =	vadd.s32 v4, v8;
	v58 =	vsub.s32 $0x1A0, v1  }
0x93: {  	v15 =	vmul.u32 v15, v28;
	v54 =	vld [tilespmem:s8+$0x0];
	v1 =	vadd.s32 v1, v37;
	v56 =	vsub.s32 $0x220, v4  }
0x94: {  	v14 =	vmul.u32 v14, v18;
	v7 =	vmul.u32 v7, v10;
	v22 =	vld.idx.msk [tilespmem:v48+s4+$0x0], $0xffff;
	s10 =	sor.u32 s7, s28;
	v61 =	vsub.s32 $0x120, v1  }
0x95: {  	v50 =	vmul.u32 v13, v38;
	v48 =	vmul.u32 v16, v31;
	v63 =	vld [tilespmem:s10+$0x0];
	v4 =	vadd.s32 v4, v32  }
0x96: {  	v51 =	vmul.u32 v42, v33;
	v60 =	vsub.s32 $0x1A0, v4;
	v4 =	vadd.s32 v4, v5;
	v59 =	vld.idx.msk [tilespmem:v55+s4+$0x0], $0xffff  }
0x97: {  	v2 =	vadd.s32 v23, v2;
	v62 =	vsub.s32 $0x120, v4;
	v1 =	vadd.s32 v1, v20;
	v43 =	vld.idx.msk [tilespmem:v58+s4+$0x0], $0xffff  }
0x98: {  	v0 =	vadd.s32 v27, v0;
	v4 =	vadd.s32 v4, v25;
	v41 =	vsub.s32 $0xA0, v1;
	v23 =	vld.idx.msk [tilespmem:v56+s4+$0x0], $0xffff  }
0x99: {  	s30 =	sor.u32 s7, s9;
	v2 =	vadd.s32 v6, v2;
	v44 =	vsub.s32 $0xA0, v4;
	v1 =	vadd.s32 v36, v1;
	v46 =	vld.idx.msk [tilespmem:v61+s4+$0x0], $0xffff  }
0x9a: {  	v0 =	vadd.s32 v12, v0;
	v4 =	vadd.s32 v63, v4;
	v1 =	vsub.s32 $0x20, v1;
	v56 =	vld [tilespmem:s30+$0x0]  }
0x9b: {  	v2 =	vadd.s32 v11, v2;
	v0 =	vadd.s32 v9, v0;
	v4 =	vsub.s32 $0x20, v4;
	v45 =	vld.idx.msk [tilespmem:v60+s4+$0x0], $0xffff  }
0x9c: {  	v53 =	vmul.u32 v19, v34;
	v2 =	vadd.s32 v14, v2;
	v0 =	vadd.s32 v15, v0;
	v47 =	vld.idx.msk [tilespmem:v62+s4+$0x0], $0xffff  }
0x9d: {  	v57 =	vmul.u32 v8, v57;
	v2 =	vadd.s32 v3, v2;
	v0 =	vadd.s32 v7, v0;
	v49 =	vld.idx.msk [tilespmem:v41+s4+$0x0], $0xffff  }
0x9e: {  	v2 =	vadd.s32 v48, v2;
	v0 =	vadd.s32 v50, v0;
	v55 =	vmul.u32 v35, v22;
	v52 =	vld.idx.msk [tilespmem:v44+s4+$0x0], $0xffff  }
0x9f: {  	v2 =	vadd.s32 v51, v2;
	v0 =	vadd.s32 v53, v0;
	v6 =	vmul.u32 v24, v59;
	v1 =	vld.idx.msk [tilespmem:v1+s4+$0x0], $0xffff  }
0xa0: {  	v2 =	vadd.s32 v55, v2;
	v59 =	vmul.u32 v37, v43;
	v4 =	vld.idx.msk [tilespmem:v4+s4+$0x0], $0xffff;
	v58 =	vmul.u32 v32, v23  }
0xa1: {  	v0 =	vadd.s32 v57, v0;
	v2 =	vadd.s32 v6, v2;
	v60 =	vmul.u32 v20, v46  }
0xa2: {  	v5 =	vmul.u32 v5, v45;
	v2 =	vadd.s32 v59, v2;
	v0 =	vadd.s32 v58, v0  }
0xa3: {  	p0 =	sne.s32 s6, $0x3E0;
	v61 =	vmul.u32 v25, v47;
	v2 =	vadd.s32 v60, v2;
	v62 =	vmul.u32 v36, v49  }
.Ltmp0:
0xa4: {  	v0 =	vadd.s32 v5, v0;
	v63 =	vmul.u32 v63, v52;
	v1 =	vmul.u32 v54, v1;
	(pc) =	sbr.rel @p0 .LBB2_1-.Ltmp0, $4  }
0xa5: {  	v0 =	vadd.s32 v61, v0;
	v4 =	vmul.u32 v56, v4;
	v2 =	vadd.s32 v62, v2  }
0xa6: {  	s31 =	sand.u32 $0x380, s6;
	v0 =	vadd.s32 v63, v0;
	v1 =	vadd.s32 v1, v2  }
0xa7: {  	s7 =	sor.u32 s7, s31;
	v0 =	vadd.s32 v4, v0;
	[tilespmem:s5+$0x0] =	vst v1  }
0xa8: {  	s3 =	sadd.s32 $0x100, s3;
	s6 =	sadd.s32 $0x20, s6;
	s5 =	sadd.s32 $0x20, s5;
	[tilespmem:s7+$0x9400] =	vst v0  }
0xa9: {  	s3 =	sshll.u32 s1, $0x7;
	s30 =	simm.s32 $0x0  }
0xaa: {  	s4 =	simm.s32 $0x9400;
	s31 =	simm.s32 $0x3;
	s2 =	sadd.s32 s2, s3  }
0xab: {  	[hbm4b:s2+s30] =	stream.linear.scatter [tilespmem:s4], [sflag:$0x3], $0x400, $0x38;
	[tilespmem:$0x9800] =	vst v63  }
0xac: {  	_ =	swait.ge [sflag:s31], $0x400  }
0xad: {  	[sflag:s31] =	ssyncset.done $0x0  }
0xae: {  	[sflag:s31] =	ssyncadd.s32 $0xFFFFFC00  }
0xaf: {  	_ =	sfence.sel $0x180000  }
0xb0: {  	[bflag:$0x0] =	sbarrier.arrive $0xFFFF  }
0xb1: {  	p0 =	sne.s32 s1, $0x0;
	_ =	strace $0x90000047  }
0xb2: {  	s0 =	sadd.s32 @!p0 $0x100000, s0;
	[bflag:$0x2] =	sbarrier.arrive $0xFFFF  }
0xb3: {  	[sflag:s0] =	ssyncadd.tile.s32 @!p0 $0x1;
	_ =	shalt  }
.Lfunc_end2:
_tile_overlayer_lowered:
.L_overlay_start_2:
0xb4: {  	(tag) =	ssettag $0x2  }
0xb5: {  	s0 =	rddreg [dreg:$0x0];
	s2 =	stileid.u32  }
0xb6: {  	s1 =	rddreg [dreg:$0x1];
	p0 =	sne.s32 s2, $0x0  }
0xb7: {  	s3 =	rddreg [dreg:$0x2];
	[bflag:$0x3] =	sbarrier.arrive $0xFFFF;
	s2 =	simm.s32 @!p0 $0x1C03  }
0xb8: {  	[timem:s3], [sflag:s2] =	dma.local @!p0 [hbm:s0], s1  }
0xb9: {  	s0 =	simm.s32 @!p0 $0x3  }
0xba: {  	_ =	swait.ge @!p0 [sflag:s0], s1  }
0xbb: {  	s1 =	ssub.s32 @!p0 $0x0, s1;
	[sflag:s0] =	ssyncset.done @!p0 $0x0  }
0xbc: {  	[sflag:s0] =	ssyncadd.s32 @!p0 s1  }
0xbd: {  	[bflag:$0x3] =	sbarrier.arrive $0xFFFF  }
0xbe: {  	_ =	shalt  }

</sc_bundles>
